<compile_context>
chip_gen: v7x
topology: tpu7x:2x2x1
jax: 0.10.2.dev20260603
libtpu: 0.0.44.dev20260713+nightly
codegen_flags: <defaults>
</compile_context>

<pallas_src>
import jax
import jax.numpy as jnp
from jax import lax
from jax.experimental import pallas as pl
from jax.experimental.pallas import tpu as pltpu
from jax.experimental.pallas import tpu_sc as plsc

TAGSET = 50
PAD = 50
B, L = 4096, 200
N_TOK = B * L
NW = 32
TOK_W = N_TOK // NW
LENS_W = B // NW
LANES = 16
UNROLL = 8
ROWS = TOK_W // (LANES * UNROLL)


def _sc_body(yp_hbm, yt_hbm, lens_hbm, ce_out, nb_out,
             yt_v, idx_v, g_v, lens_v, st_f, st_i, sem):
    wid = lax.axis_index("s") * 2 + lax.axis_index("c")
    base = wid * TOK_W

    pltpu.sync_copy(yt_hbm.at[pl.ds(base, TOK_W)], yt_v)
    pltpu.sync_copy(lens_hbm.at[pl.ds(wid * LENS_W, LENS_W)], lens_v)

    iota = lax.broadcasted_iota(jnp.int32, (LANES,), 0)

    def idx_row(r, _):
        off = r * (LANES * UNROLL)
        for k in range(UNROLL):
            yt = yt_v[pl.ds(off + k * LANES, LANES)]
            lbl = jnp.minimum(yt, TAGSET - 1)
            idx_v[pl.ds(off + k * LANES, LANES)] = (
                (base + off + k * LANES + iota) * TAGSET + lbl)
        return 0

    lax.fori_loop(0, ROWS, idx_row, 0)

    pltpu.async_copy(yp_hbm.at[idx_v], g_v, sem).wait()

    def acc_row(r, acc):
        off = r * (LANES * UNROLL)
        for k in range(UNROLL):
            yt = yt_v[pl.ds(off + k * LANES, LANES)]
            g = g_v[pl.ds(off + k * LANES, LANES)]
            acc = acc + jnp.where(yt < PAD, g, 0.0)
        return acc

    acc = lax.fori_loop(0, ROWS, acc_row, jnp.zeros((LANES,), jnp.float32))

    nb = jnp.zeros((LANES,), jnp.int32)
    for k in range(LENS_W // LANES):
        nb = nb + lens_v[pl.ds(k * LANES, LANES)]

    st_f[...] = acc
    st_i[...] = nb
    pltpu.sync_copy(st_f, ce_out.at[wid])
    pltpu.sync_copy(st_i, nb_out.at[wid])


@jax.jit
def _sc_call(yp, yt, ln):
    mesh = plsc.VectorSubcoreMesh(core_axis_name="c", subcore_axis_name="s")
    f = pl.kernel(
        _sc_body,
        out_type=[
            jax.ShapeDtypeStruct((NW, LANES), jnp.float32),
            jax.ShapeDtypeStruct((NW, LANES), jnp.int32),
        ],
        mesh=mesh,
        scratch_types=[
            pltpu.VMEM((TOK_W,), jnp.int32),
            pltpu.VMEM((TOK_W,), jnp.int32),
            pltpu.VMEM((TOK_W,), jnp.float32),
            pltpu.VMEM((LENS_W,), jnp.int32),
            pltpu.VMEM((LANES,), jnp.float32),
            pltpu.VMEM((LANES,), jnp.int32),
            pltpu.SemaphoreType.DMA,
        ],
    )
    return f(yp, yt, ln)


def kernel(y_pred, y_true, lens, masks):
    yp = y_pred.reshape(-1)
    yt = y_true.reshape(-1).astype(jnp.int32)
    ln = lens.astype(jnp.int32)
    ce_p, nb_p = _sc_call(yp, yt, ln)
    return -jnp.sum(ce_p) / jnp.sum(nb_p).astype(jnp.float32)

# --- scband reference (transcript-rebuilt; emitter-appended) ---
"""Pipeline reference for scband-base-tagging-model-37769942401191 (READ-ONLY COPY).

The authoritative reference and input builder live on the scoring server;
editing this copy changes nothing except your own understanding.
"""

import jax, jax.numpy as jnp
import numpy as np

TAGSET_SIZE = 50
PAD_TOKEN = 50  # index >= tagset_size marks padding, mirrors common.PAD_TOKEN


def setup_inputs(seed: int = 0) -> dict:
    key = jax.random.key(seed)
    k1, k2, k3 = jax.random.split(key, 3)
    B, L, T = 4096, 200, TAGSET_SIZE
    y_pred = jax.random.normal(k1, (B, L, T), dtype=jnp.float32)
    y_true = jax.random.randint(k2, (B, L), 0, 51, dtype=jnp.int64)
    lens = jax.random.randint(k3, (B,), 0, 200, dtype=jnp.int64)
    masks = jnp.ones((B, L), dtype=jnp.float32)
    return {"y_pred": y_pred, "y_true": y_true, "lens": lens, "masks": masks}


def reference(y_pred, y_true, lens, masks):
    # Faithful translation of BaseTaggingModel.loss
    T = TAGSET_SIZE
    yt = y_true.reshape(-1)
    yp = y_pred.reshape(-1, T)
    nb_tokens = jnp.sum(lens)
    mask = (yt < PAD_TOKEN).astype(jnp.float32)
    yt_clamped = jnp.clip(yt, 0, T - 1)
    idx = jnp.arange(yp.shape[0])
    gathered = yp[idx, yt_clamped.astype(jnp.int32)] * mask
    ce_loss = -jnp.sum(gathered) / nb_tokens
    return ce_loss

if __name__ == "__main__":
    import jax
    _d = setup_inputs()
    print(jax.jit(kernel)(*tuple(_d.values())))

</pallas_src>

<mosaic_0001>
#map = affine_map<(d0, d1) -> (0)>
#map1 = affine_map<(d0, d1) -> (0, 0)>
module attributes {stable_mosaic.version = 14 : i64} {
  func.func @_sc_body(%arg0: i32, %arg1: i32, %arg2: memref<40960000xf32, #tpu.memory_space<hbm>>, %arg3: memref<819200xi32, #tpu.memory_space<hbm>>, %arg4: memref<4096xi32, #tpu.memory_space<hbm>>, %arg5: memref<32x16xf32, #tpu.memory_space<hbm>>, %arg6: memref<32x16xi32, #tpu.memory_space<hbm>>, %arg7: memref<25600xi32, #tpu.memory_space<vmem>>, %arg8: memref<25600xi32, #tpu.memory_space<vmem>>, %arg9: memref<25600xf32, #tpu.memory_space<vmem>>, %arg10: memref<128xi32, #tpu.memory_space<vmem>>, %arg11: memref<16xf32, #tpu.memory_space<vmem>>, %arg12: memref<16xi32, #tpu.memory_space<vmem>>, %arg13: memref<!tpu.dma_semaphore, #tpu.memory_space<semaphore_mem>>) attributes {dimension_semantics = [#tpu.dimension_semantics<core_parallel>, #tpu.dimension_semantics<subcore_parallel>], iteration_bounds = array<i64: 2, 16>, scalar_prefetch = 0 : i64, scratch_operands = 7 : i64, tpu.core_type = #tpu.core_type<sc_vector_subcore>, window_params = [{transform_indices = #map}, {transform_indices = #map}, {transform_indices = #map}, {transform_indices = #map1}, {transform_indices = #map1}]} {
    %mul3A = arith.constant 2 : i32
    %mul3A_0 = arith.muli %arg1, %mul3A : i32
    %add3A = arith.addi %mul3A_0, %arg0 : i32
    %mul3A_1 = arith.constant 25600 : i32
    %mul3A_2 = arith.muli %add3A, %mul3A_1 : i32
    "tpu.region"() ({
      %run_scoped3A = tpu.sem_alloc : memref<!tpu.dma_semaphore, #tpu.memory_space<semaphore_mem>>
      %dma_start3A_60 = tpu.memref_slice %arg3[%mul3A_2] : memref<819200xi32, #tpu.memory_space<hbm>> -> memref<25600xi32, #tpu.memory_space<hbm>>
      %dma_start3A_61 = tpu.memref_slice %arg3[%mul3A_2] : memref<819200xi32, #tpu.memory_space<hbm>> -> memref<25600xi32, #tpu.memory_space<hbm>>
      tpu.enqueue_dma source(%dma_start3A_61 : memref<25600xi32, #tpu.memory_space<hbm>>) target(%arg7 : memref<25600xi32, #tpu.memory_space<vmem>>) target_semaphore(%run_scoped3A : memref<!tpu.dma_semaphore, #tpu.memory_space<semaphore_mem>>)
      %dma_wait3A_62 = tpu.memref_slice %arg3[%mul3A_2] : memref<819200xi32, #tpu.memory_space<hbm>> -> memref<25600xi32, #tpu.memory_space<hbm>>
      %dma_wait3A_63 = tpu.memref_slice %arg3[%mul3A_2] : memref<819200xi32, #tpu.memory_space<hbm>> -> memref<25600xi32, #tpu.memory_space<hbm>>
      tpu.wait_dma2 semaphore(%run_scoped3A : memref<!tpu.dma_semaphore, #tpu.memory_space<semaphore_mem>>) src(%dma_wait3A_63 : memref<25600xi32, #tpu.memory_space<hbm>>) dst(%arg7 : memref<25600xi32, #tpu.memory_space<vmem>>)
      tpu.yield
    }) : () -> ()
    %mul3A_3 = arith.constant 128 : i32
    %mul3A_4 = arith.muli %add3A, %mul3A_3 : i32
    "tpu.region"() ({
      %run_scoped3A = tpu.sem_alloc : memref<!tpu.dma_semaphore, #tpu.memory_space<semaphore_mem>>
      %dma_start3A_60 = tpu.memref_slice %arg4[%mul3A_4] : memref<4096xi32, #tpu.memory_space<hbm>> -> memref<128xi32, #tpu.memory_space<hbm>>
      %dma_start3A_61 = tpu.memref_slice %arg4[%mul3A_4] : memref<4096xi32, #tpu.memory_space<hbm>> -> memref<128xi32, #tpu.memory_space<hbm>>
      tpu.enqueue_dma source(%dma_start3A_61 : memref<128xi32, #tpu.memory_space<hbm>>) target(%arg10 : memref<128xi32, #tpu.memory_space<vmem>>) target_semaphore(%run_scoped3A : memref<!tpu.dma_semaphore, #tpu.memory_space<semaphore_mem>>)
      %dma_wait3A_62 = tpu.memref_slice %arg4[%mul3A_4] : memref<4096xi32, #tpu.memory_space<hbm>> -> memref<128xi32, #tpu.memory_space<hbm>>
      %dma_wait3A_63 = tpu.memref_slice %arg4[%mul3A_4] : memref<4096xi32, #tpu.memory_space<hbm>> -> memref<128xi32, #tpu.memory_space<hbm>>
      tpu.wait_dma2 semaphore(%run_scoped3A : memref<!tpu.dma_semaphore, #tpu.memory_space<semaphore_mem>>) src(%dma_wait3A_63 : memref<128xi32, #tpu.memory_space<hbm>>) dst(%arg10 : memref<128xi32, #tpu.memory_space<vmem>>)
      tpu.yield
    }) : () -> ()
    %iota3A = tpu.iota {dimensions = array<i32: 0>} : vector<16xi32>
    %scan3A = arith.constant 0 : i32
    %scan3A_5 = arith.constant 0 : i32
    %scan3A_6 = arith.constant 200 : i32
    %scan3A_7 = arith.addi %scan3A_5, %scan3A_6 : i32
    %scan3A_8 = arith.constant 1 : i32
    %scan3A_9 = scf.for %scan3A_60 = %scan3A_5 to %scan3A_7 step %scan3A_8 iter_args(%scan3A_61 = %scan3A) -> (i32)  : i32 {
      %mul3A_62 = arith.constant 128 : i32
      %mul3A_63 = arith.muli %scan3A_60, %mul3A_62 : i32
      %add3A_64 = arith.constant 0 : i32
      %add3A_65 = arith.addi %mul3A_63, %add3A_64 : i32
      %get3A_66 = arith.index_cast %add3A_65 : i32 to index
      %get3A_67 = tpu.vector_load %arg7[%get3A_66] {strides = array<i32>} : memref<25600xi32, #tpu.memory_space<vmem>>, vector<16xi32>,
      %get3A_68 = vector.shape_cast %get3A_67 : vector<16xi32> to vector<16xi32>
      %min3A = arith.constant 49 : i32
      %min3A_69 = vector.broadcast %min3A : i32 to vector<16xi32>
      %min3A_70 = arith.minsi %get3A_68, %min3A_69 : vector<16xi32>
      %add3A_71 = arith.addi %mul3A_2, %mul3A_63 : i32
      %add3A_72 = arith.constant 0 : i32
      %add3A_73 = arith.addi %add3A_71, %add3A_72 : i32
      %add3A_74 = vector.broadcast %add3A_73 : i32 to vector<16xi32>
      %add3A_75 = arith.addi %add3A_74, %iota3A : vector<16xi32>
      %mul3A_76 = arith.constant 50 : i32
      %mul3A_77 = vector.broadcast %mul3A_76 : i32 to vector<16xi32>
      %mul3A_78 = arith.muli %add3A_75, %mul3A_77 : vector<16xi32>
      %add3A_79 = arith.addi %mul3A_78, %min3A_70 : vector<16xi32>
      %add3A_80 = arith.constant 0 : i32
      %add3A_81 = arith.addi %mul3A_63, %add3A_80 : i32
      %swap3A_82 = arith.index_cast %add3A_81 : i32 to index
      %swap3A_83 = tpu.vector_load %arg8[%swap3A_82] {strides = array<i32>} : memref<25600xi32, #tpu.memory_space<vmem>>, vector<16xi32>,
      %swap3A_84 = vector.shape_cast %swap3A_83 : vector<16xi32> to vector<16xi32>
      %swap3A_85 = vector.shape_cast %add3A_79 : vector<16xi32> to vector<16xi32>
      tpu.vector_store %arg8[%swap3A_82], %swap3A_85 {strides = array<i32>} : memref<25600xi32, #tpu.memory_space<vmem>>, vector<16xi32>,
      %add3A_86 = arith.constant 16 : i32
      %add3A_87 = arith.addi %mul3A_63, %add3A_86 : i32
      %get3A_88 = arith.index_cast %add3A_87 : i32 to index
      %get3A_89 = tpu.vector_load %arg7[%get3A_88] {strides = array<i32>} : memref<25600xi32, #tpu.memory_space<vmem>>, vector<16xi32>,
      %get3A_90 = vector.shape_cast %get3A_89 : vector<16xi32> to vector<16xi32>
      %min3A_91 = arith.constant 49 : i32
      %min3A_92 = vector.broadcast %min3A_91 : i32 to vector<16xi32>
      %min3A_93 = arith.minsi %get3A_90, %min3A_92 : vector<16xi32>
      %add3A_94 = arith.addi %mul3A_2, %mul3A_63 : i32
      %add3A_95 = arith.constant 16 : i32
      %add3A_96 = arith.addi %add3A_94, %add3A_95 : i32
      %add3A_97 = vector.broadcast %add3A_96 : i32 to vector<16xi32>
      %add3A_98 = arith.addi %add3A_97, %iota3A : vector<16xi32>
      %mul3A_99 = arith.constant 50 : i32
      %mul3A_100 = vector.broadcast %mul3A_99 : i32 to vector<16xi32>
      %mul3A_101 = arith.muli %add3A_98, %mul3A_100 : vector<16xi32>
      %add3A_102 = arith.addi %mul3A_101, %min3A_93 : vector<16xi32>
      %add3A_103 = arith.constant 16 : i32
      %add3A_104 = arith.addi %mul3A_63, %add3A_103 : i32
      %swap3A_105 = arith.index_cast %add3A_104 : i32 to index
      %swap3A_106 = tpu.vector_load %arg8[%swap3A_105] {strides = array<i32>} : memref<25600xi32, #tpu.memory_space<vmem>>, vector<16xi32>,
      %swap3A_107 = vector.shape_cast %swap3A_106 : vector<16xi32> to vector<16xi32>
      %swap3A_108 = vector.shape_cast %add3A_102 : vector<16xi32> to vector<16xi32>
      tpu.vector_store %arg8[%swap3A_105], %swap3A_108 {strides = array<i32>} : memref<25600xi32, #tpu.memory_space<vmem>>, vector<16xi32>,
      %add3A_109 = arith.constant 32 : i32
      %add3A_110 = arith.addi %mul3A_63, %add3A_109 : i32
      %get3A_111 = arith.index_cast %add3A_110 : i32 to index
      %get3A_112 = tpu.vector_load %arg7[%get3A_111] {strides = array<i32>} : memref<25600xi32, #tpu.memory_space<vmem>>, vector<16xi32>,
      %get3A_113 = vector.shape_cast %get3A_112 : vector<16xi32> to vector<16xi32>
      %min3A_114 = arith.constant 49 : i32
      %min3A_115 = vector.broadcast %min3A_114 : i32 to vector<16xi32>
      %min3A_116 = arith.minsi %get3A_113, %min3A_115 : vector<16xi32>
      %add3A_117 = arith.addi %mul3A_2, %mul3A_63 : i32
      %add3A_118 = arith.constant 32 : i32
      %add3A_119 = arith.addi %add3A_117, %add3A_118 : i32
      %add3A_120 = vector.broadcast %add3A_119 : i32 to vector<16xi32>
      %add3A_121 = arith.addi %add3A_120, %iota3A : vector<16xi32>
      %mul3A_122 = arith.constant 50 : i32
      %mul3A_123 = vector.broadcast %mul3A_122 : i32 to vector<16xi32>
      %mul3A_124 = arith.muli %add3A_121, %mul3A_123 : vector<16xi32>
      %add3A_125 = arith.addi %mul3A_124, %min3A_116 : vector<16xi32>
      %add3A_126 = arith.constant 32 : i32
      %add3A_127 = arith.addi %mul3A_63, %add3A_126 : i32
      %swap3A_128 = arith.index_cast %add3A_127 : i32 to index
      %swap3A_129 = tpu.vector_load %arg8[%swap3A_128] {strides = array<i32>} : memref<25600xi32, #tpu.memory_space<vmem>>, vector<16xi32>,
      %swap3A_130 = vector.shape_cast %swap3A_129 : vector<16xi32> to vector<16xi32>
      %swap3A_131 = vector.shape_cast %add3A_125 : vector<16xi32> to vector<16xi32>
      tpu.vector_store %arg8[%swap3A_128], %swap3A_131 {strides = array<i32>} : memref<25600xi32, #tpu.memory_space<vmem>>, vector<16xi32>,
      %add3A_132 = arith.constant 48 : i32
      %add3A_133 = arith.addi %mul3A_63, %add3A_132 : i32
      %get3A_134 = arith.index_cast %add3A_133 : i32 to index
      %get3A_135 = tpu.vector_load %arg7[%get3A_134] {strides = array<i32>} : memref<25600xi32, #tpu.memory_space<vmem>>, vector<16xi32>,
      %get3A_136 = vector.shape_cast %get3A_135 : vector<16xi32> to vector<16xi32>
      %min3A_137 = arith.constant 49 : i32
      %min3A_138 = vector.broadcast %min3A_137 : i32 to vector<16xi32>
      %min3A_139 = arith.minsi %get3A_136, %min3A_138 : vector<16xi32>
      %add3A_140 = arith.addi %mul3A_2, %mul3A_63 : i32
      %add3A_141 = arith.constant 48 : i32
      %add3A_142 = arith.addi %add3A_140, %add3A_141 : i32
      %add3A_143 = vector.broadcast %add3A_142 : i32 to vector<16xi32>
      %add3A_144 = arith.addi %add3A_143, %iota3A : vector<16xi32>
      %mul3A_145 = arith.constant 50 : i32
      %mul3A_146 = vector.broadcast %mul3A_145 : i32 to vector<16xi32>
      %mul3A_147 = arith.muli %add3A_144, %mul3A_146 : vector<16xi32>
      %add3A_148 = arith.addi %mul3A_147, %min3A_139 : vector<16xi32>
      %add3A_149 = arith.constant 48 : i32
      %add3A_150 = arith.addi %mul3A_63, %add3A_149 : i32
      %swap3A_151 = arith.index_cast %add3A_150 : i32 to index
      %swap3A_152 = tpu.vector_load %arg8[%swap3A_151] {strides = array<i32>} : memref<25600xi32, #tpu.memory_space<vmem>>, vector<16xi32>,
      %swap3A_153 = vector.shape_cast %swap3A_152 : vector<16xi32> to vector<16xi32>
      %swap3A_154 = vector.shape_cast %add3A_148 : vector<16xi32> to vector<16xi32>
      tpu.vector_store %arg8[%swap3A_151], %swap3A_154 {strides = array<i32>} : memref<25600xi32, #tpu.memory_space<vmem>>, vector<16xi32>,
      %add3A_155 = arith.constant 64 : i32
      %add3A_156 = arith.addi %mul3A_63, %add3A_155 : i32
      %get3A_157 = arith.index_cast %add3A_156 : i32 to index
      %get3A_158 = tpu.vector_load %arg7[%get3A_157] {strides = array<i32>} : memref<25600xi32, #tpu.memory_space<vmem>>, vector<16xi32>,
      %get3A_159 = vector.shape_cast %get3A_158 : vector<16xi32> to vector<16xi32>
      %min3A_160 = arith.constant 49 : i32
      %min3A_161 = vector.broadcast %min3A_160 : i32 to vector<16xi32>
      %min3A_162 = arith.minsi %get3A_159, %min3A_161 : vector<16xi32>
      %add3A_163 = arith.addi %mul3A_2, %mul3A_63 : i32
      %add3A_164 = arith.constant 64 : i32
      %add3A_165 = arith.addi %add3A_163, %add3A_164 : i32
      %add3A_166 = vector.broadcast %add3A_165 : i32 to vector<16xi32>
      %add3A_167 = arith.addi %add3A_166, %iota3A : vector<16xi32>
      %mul3A_168 = arith.constant 50 : i32
      %mul3A_169 = vector.broadcast %mul3A_168 : i32 to vector<16xi32>
      %mul3A_170 = arith.muli %add3A_167, %mul3A_169 : vector<16xi32>
      %add3A_171 = arith.addi %mul3A_170, %min3A_162 : vector<16xi32>
      %add3A_172 = arith.constant 64 : i32
      %add3A_173 = arith.addi %mul3A_63, %add3A_172 : i32
      %swap3A_174 = arith.index_cast %add3A_173 : i32 to index
      %swap3A_175 = tpu.vector_load %arg8[%swap3A_174] {strides = array<i32>} : memref<25600xi32, #tpu.memory_space<vmem>>, vector<16xi32>,
      %swap3A_176 = vector.shape_cast %swap3A_175 : vector<16xi32> to vector<16xi32>
      %swap3A_177 = vector.shape_cast %add3A_171 : vector<16xi32> to vector<16xi32>
      tpu.vector_store %arg8[%swap3A_174], %swap3A_177 {strides = array<i32>} : memref<25600xi32, #tpu.memory_space<vmem>>, vector<16xi32>,
      %add3A_178 = arith.constant 80 : i32
      %add3A_179 = arith.addi %mul3A_63, %add3A_178 : i32
      %get3A_180 = arith.index_cast %add3A_179 : i32 to index
      %get3A_181 = tpu.vector_load %arg7[%get3A_180] {strides = array<i32>} : memref<25600xi32, #tpu.memory_space<vmem>>, vector<16xi32>,
      %get3A_182 = vector.shape_cast %get3A_181 : vector<16xi32> to vector<16xi32>
      %min3A_183 = arith.constant 49 : i32
      %min3A_184 = vector.broadcast %min3A_183 : i32 to vector<16xi32>
      %min3A_185 = arith.minsi %get3A_182, %min3A_184 : vector<16xi32>
      %add3A_186 = arith.addi %mul3A_2, %mul3A_63 : i32
      %add3A_187 = arith.constant 80 : i32
      %add3A_188 = arith.addi %add3A_186, %add3A_187 : i32
      %add3A_189 = vector.broadcast %add3A_188 : i32 to vector<16xi32>
      %add3A_190 = arith.addi %add3A_189, %iota3A : vector<16xi32>
      %mul3A_191 = arith.constant 50 : i32
      %mul3A_192 = vector.broadcast %mul3A_191 : i32 to vector<16xi32>
      %mul3A_193 = arith.muli %add3A_190, %mul3A_192 : vector<16xi32>
      %add3A_194 = arith.addi %mul3A_193, %min3A_185 : vector<16xi32>
      %add3A_195 = arith.constant 80 : i32
      %add3A_196 = arith.addi %mul3A_63, %add3A_195 : i32
      %swap3A_197 = arith.index_cast %add3A_196 : i32 to index
      %swap3A_198 = tpu.vector_load %arg8[%swap3A_197] {strides = array<i32>} : memref<25600xi32, #tpu.memory_space<vmem>>, vector<16xi32>,
      %swap3A_199 = vector.shape_cast %swap3A_198 : vector<16xi32> to vector<16xi32>
      %swap3A_200 = vector.shape_cast %add3A_194 : vector<16xi32> to vector<16xi32>
      tpu.vector_store %arg8[%swap3A_197], %swap3A_200 {strides = array<i32>} : memref<25600xi32, #tpu.memory_space<vmem>>, vector<16xi32>,
      %add3A_201 = arith.constant 96 : i32
      %add3A_202 = arith.addi %mul3A_63, %add3A_201 : i32
      %get3A_203 = arith.index_cast %add3A_202 : i32 to index
      %get3A_204 = tpu.vector_load %arg7[%get3A_203] {strides = array<i32>} : memref<25600xi32, #tpu.memory_space<vmem>>, vector<16xi32>,
      %get3A_205 = vector.shape_cast %get3A_204 : vector<16xi32> to vector<16xi32>
      %min3A_206 = arith.constant 49 : i32
      %min3A_207 = vector.broadcast %min3A_206 : i32 to vector<16xi32>
      %min3A_208 = arith.minsi %get3A_205, %min3A_207 : vector<16xi32>
      %add3A_209 = arith.addi %mul3A_2, %mul3A_63 : i32
      %add3A_210 = arith.constant 96 : i32
      %add3A_211 = arith.addi %add3A_209, %add3A_210 : i32
      %add3A_212 = vector.broadcast %add3A_211 : i32 to vector<16xi32>
      %add3A_213 = arith.addi %add3A_212, %iota3A : vector<16xi32>
      %mul3A_214 = arith.constant 50 : i32
      %mul3A_215 = vector.broadcast %mul3A_214 : i32 to vector<16xi32>
      %mul3A_216 = arith.muli %add3A_213, %mul3A_215 : vector<16xi32>
      %add3A_217 = arith.addi %mul3A_216, %min3A_208 : vector<16xi32>
      %add3A_218 = arith.constant 96 : i32
      %add3A_219 = arith.addi %mul3A_63, %add3A_218 : i32
      %swap3A_220 = arith.index_cast %add3A_219 : i32 to index
      %swap3A_221 = tpu.vector_load %arg8[%swap3A_220] {strides = array<i32>} : memref<25600xi32, #tpu.memory_space<vmem>>, vector<16xi32>,
      %swap3A_222 = vector.shape_cast %swap3A_221 : vector<16xi32> to vector<16xi32>
      %swap3A_223 = vector.shape_cast %add3A_217 : vector<16xi32> to vector<16xi32>
      tpu.vector_store %arg8[%swap3A_220], %swap3A_223 {strides = array<i32>} : memref<25600xi32, #tpu.memory_space<vmem>>, vector<16xi32>,
      %add3A_224 = arith.constant 112 : i32
      %add3A_225 = arith.addi %mul3A_63, %add3A_224 : i32
      %get3A_226 = arith.index_cast %add3A_225 : i32 to index
      %get3A_227 = tpu.vector_load %arg7[%get3A_226] {strides = array<i32>} : memref<25600xi32, #tpu.memory_space<vmem>>, vector<16xi32>,
      %get3A_228 = vector.shape_cast %get3A_227 : vector<16xi32> to vector<16xi32>
      %min3A_229 = arith.constant 49 : i32
      %min3A_230 = vector.broadcast %min3A_229 : i32 to vector<16xi32>
      %min3A_231 = arith.minsi %get3A_228, %min3A_230 : vector<16xi32>
      %add3A_232 = arith.addi %mul3A_2, %mul3A_63 : i32
      %add3A_233 = arith.constant 112 : i32
      %add3A_234 = arith.addi %add3A_232, %add3A_233 : i32
      %add3A_235 = vector.broadcast %add3A_234 : i32 to vector<16xi32>
      %add3A_236 = arith.addi %add3A_235, %iota3A : vector<16xi32>
      %mul3A_237 = arith.constant 50 : i32
      %mul3A_238 = vector.broadcast %mul3A_237 : i32 to vector<16xi32>
      %mul3A_239 = arith.muli %add3A_236, %mul3A_238 : vector<16xi32>
      %add3A_240 = arith.addi %mul3A_239, %min3A_231 : vector<16xi32>
      %add3A_241 = arith.constant 112 : i32
      %add3A_242 = arith.addi %mul3A_63, %add3A_241 : i32
      %swap3A_243 = arith.index_cast %add3A_242 : i32 to index
      %swap3A_244 = tpu.vector_load %arg8[%swap3A_243] {strides = array<i32>} : memref<25600xi32, #tpu.memory_space<vmem>>, vector<16xi32>,
      %swap3A_245 = vector.shape_cast %swap3A_244 : vector<16xi32> to vector<16xi32>
      %swap3A_246 = vector.shape_cast %add3A_240 : vector<16xi32> to vector<16xi32>
      tpu.vector_store %arg8[%swap3A_243], %swap3A_246 {strides = array<i32>} : memref<25600xi32, #tpu.memory_space<vmem>>, vector<16xi32>,
      %scan3A_247 = arith.constant 0 : i32
      scf.yield %scan3A_247 : i32
    }
    %scan3A_10 = arith.constant 200 : i32
    %dma_start3A = arith.constant 0 : i32
    %dma_start3A_11 = tpu.memref_slice %arg2[%dma_start3A] : memref<40960000xf32, #tpu.memory_space<hbm>> -> memref<40960000xf32, #tpu.memory_space<hbm>>
    tpu.enqueue_indirect_dma source(%dma_start3A_11 : memref<40960000xf32, #tpu.memory_space<hbm>>) target(%arg9 : memref<25600xf32, #tpu.memory_space<vmem>>) offsets(%arg8 : memref<25600xi32, #tpu.memory_space<vmem>>) semaphore(%arg13 : memref<!tpu.dma_semaphore, #tpu.memory_space<semaphore_mem>>)
    %dma_wait3A = arith.constant 0 : i32
    %dma_wait3A_12 = tpu.memref_slice %arg2[%dma_wait3A] : memref<40960000xf32, #tpu.memory_space<hbm>> -> memref<40960000xf32, #tpu.memory_space<hbm>>
    tpu.wait_indirect_dma semaphore(%arg13 : memref<!tpu.dma_semaphore, #tpu.memory_space<semaphore_mem>>) src(%dma_wait3A_12 : memref<40960000xf32, #tpu.memory_space<hbm>>) dst(%arg9 : memref<25600xf32, #tpu.memory_space<vmem>>)
    %broadcast_in_dim3A = arith.constant 0.000000e+00 : f32
    %broadcast_in_dim3A_13 = vector.broadcast %broadcast_in_dim3A : f32 to vector<16xf32>
    %scan3A_14 = arith.constant 0 : i32
    %scan3A_15 = arith.constant 200 : i32
    %scan3A_16 = arith.addi %scan3A_14, %scan3A_15 : i32
    %scan3A_17 = arith.constant 1 : i32
    %scan3A_18 = scf.for %scan3A_60 = %scan3A_14 to %scan3A_16 step %scan3A_17 iter_args(%scan3A_61 = %broadcast_in_dim3A_13) -> (vector<16xf32>)  : i32 {
      %mul3A_62 = arith.constant 128 : i32
      %mul3A_63 = arith.muli %scan3A_60, %mul3A_62 : i32
      %add3A_64 = arith.constant 0 : i32
      %add3A_65 = arith.addi %mul3A_63, %add3A_64 : i32
      %get3A_66 = arith.index_cast %add3A_65 : i32 to index
      %get3A_67 = tpu.vector_load %arg7[%get3A_66] {strides = array<i32>} : memref<25600xi32, #tpu.memory_space<vmem>>, vector<16xi32>,
      %get3A_68 = vector.shape_cast %get3A_67 : vector<16xi32> to vector<16xi32>
      %add3A_69 = arith.constant 0 : i32
      %add3A_70 = arith.addi %mul3A_63, %add3A_69 : i32
      %get3A_71 = arith.index_cast %add3A_70 : i32 to index
      %get3A_72 = tpu.vector_load %arg9[%get3A_71] {strides = array<i32>} : memref<25600xf32, #tpu.memory_space<vmem>>, vector<16xf32>,
      %get3A_73 = vector.shape_cast %get3A_72 : vector<16xf32> to vector<16xf32>
      %lt3A = arith.constant 50 : i32
      %lt3A_74 = vector.broadcast %lt3A : i32 to vector<16xi32>
      %lt3A_75 = arith.cmpi slt, %get3A_68, %lt3A_74 : vector<16xi32>
      %jit3A = arith.constant 0.000000e+00 : f32
      %broadcast_in_dim3A_76 = vector.broadcast %jit3A : f32 to vector<16xf32>
      %select_n3A = arith.select %lt3A_75, %get3A_73, %broadcast_in_dim3A_76 : vector<16xi1>, vector<16xf32>
      %add3A_77 = arith.addf %scan3A_61, %select_n3A : vector<16xf32>
      %add3A_78 = arith.constant 16 : i32
      %add3A_79 = arith.addi %mul3A_63, %add3A_78 : i32
      %get3A_80 = arith.index_cast %add3A_79 : i32 to index
      %get3A_81 = tpu.vector_load %arg7[%get3A_80] {strides = array<i32>} : memref<25600xi32, #tpu.memory_space<vmem>>, vector<16xi32>,
      %get3A_82 = vector.shape_cast %get3A_81 : vector<16xi32> to vector<16xi32>
      %add3A_83 = arith.constant 16 : i32
      %add3A_84 = arith.addi %mul3A_63, %add3A_83 : i32
      %get3A_85 = arith.index_cast %add3A_84 : i32 to index
      %get3A_86 = tpu.vector_load %arg9[%get3A_85] {strides = array<i32>} : memref<25600xf32, #tpu.memory_space<vmem>>, vector<16xf32>,
      %get3A_87 = vector.shape_cast %get3A_86 : vector<16xf32> to vector<16xf32>
      %lt3A_88 = arith.constant 50 : i32
      %lt3A_89 = vector.broadcast %lt3A_88 : i32 to vector<16xi32>
      %lt3A_90 = arith.cmpi slt, %get3A_82, %lt3A_89 : vector<16xi32>
      %jit3A_91 = arith.constant 0.000000e+00 : f32
      %broadcast_in_dim3A_92 = vector.broadcast %jit3A_91 : f32 to vector<16xf32>
      %select_n3A_93 = arith.select %lt3A_90, %get3A_87, %broadcast_in_dim3A_92 : vector<16xi1>, vector<16xf32>
      %add3A_94 = arith.addf %add3A_77, %select_n3A_93 : vector<16xf32>
      %add3A_95 = arith.constant 32 : i32
      %add3A_96 = arith.addi %mul3A_63, %add3A_95 : i32
      %get3A_97 = arith.index_cast %add3A_96 : i32 to index
      %get3A_98 = tpu.vector_load %arg7[%get3A_97] {strides = array<i32>} : memref<25600xi32, #tpu.memory_space<vmem>>, vector<16xi32>,
      %get3A_99 = vector.shape_cast %get3A_98 : vector<16xi32> to vector<16xi32>
      %add3A_100 = arith.constant 32 : i32
      %add3A_101 = arith.addi %mul3A_63, %add3A_100 : i32
      %get3A_102 = arith.index_cast %add3A_101 : i32 to index
      %get3A_103 = tpu.vector_load %arg9[%get3A_102] {strides = array<i32>} : memref<25600xf32, #tpu.memory_space<vmem>>, vector<16xf32>,
      %get3A_104 = vector.shape_cast %get3A_103 : vector<16xf32> to vector<16xf32>
      %lt3A_105 = arith.constant 50 : i32
      %lt3A_106 = vector.broadcast %lt3A_105 : i32 to vector<16xi32>
      %lt3A_107 = arith.cmpi slt, %get3A_99, %lt3A_106 : vector<16xi32>
      %jit3A_108 = arith.constant 0.000000e+00 : f32
      %broadcast_in_dim3A_109 = vector.broadcast %jit3A_108 : f32 to vector<16xf32>
      %select_n3A_110 = arith.select %lt3A_107, %get3A_104, %broadcast_in_dim3A_109 : vector<16xi1>, vector<16xf32>
      %add3A_111 = arith.addf %add3A_94, %select_n3A_110 : vector<16xf32>
      %add3A_112 = arith.constant 48 : i32
      %add3A_113 = arith.addi %mul3A_63, %add3A_112 : i32
      %get3A_114 = arith.index_cast %add3A_113 : i32 to index
      %get3A_115 = tpu.vector_load %arg7[%get3A_114] {strides = array<i32>} : memref<25600xi32, #tpu.memory_space<vmem>>, vector<16xi32>,
      %get3A_116 = vector.shape_cast %get3A_115 : vector<16xi32> to vector<16xi32>
      %add3A_117 = arith.constant 48 : i32
      %add3A_118 = arith.addi %mul3A_63, %add3A_117 : i32
      %get3A_119 = arith.index_cast %add3A_118 : i32 to index
      %get3A_120 = tpu.vector_load %arg9[%get3A_119] {strides = array<i32>} : memref<25600xf32, #tpu.memory_space<vmem>>, vector<16xf32>,
      %get3A_121 = vector.shape_cast %get3A_120 : vector<16xf32> to vector<16xf32>
      %lt3A_122 = arith.constant 50 : i32
      %lt3A_123 = vector.broadcast %lt3A_122 : i32 to vector<16xi32>
      %lt3A_124 = arith.cmpi slt, %get3A_116, %lt3A_123 : vector<16xi32>
      %jit3A_125 = arith.constant 0.000000e+00 : f32
      %broadcast_in_dim3A_126 = vector.broadcast %jit3A_125 : f32 to vector<16xf32>
      %select_n3A_127 = arith.select %lt3A_124, %get3A_121, %broadcast_in_dim3A_126 : vector<16xi1>, vector<16xf32>
      %add3A_128 = arith.addf %add3A_111, %select_n3A_127 : vector<16xf32>
      %add3A_129 = arith.constant 64 : i32
      %add3A_130 = arith.addi %mul3A_63, %add3A_129 : i32
      %get3A_131 = arith.index_cast %add3A_130 : i32 to index
      %get3A_132 = tpu.vector_load %arg7[%get3A_131] {strides = array<i32>} : memref<25600xi32, #tpu.memory_space<vmem>>, vector<16xi32>,
      %get3A_133 = vector.shape_cast %get3A_132 : vector<16xi32> to vector<16xi32>
      %add3A_134 = arith.constant 64 : i32
      %add3A_135 = arith.addi %mul3A_63, %add3A_134 : i32
      %get3A_136 = arith.index_cast %add3A_135 : i32 to index
      %get3A_137 = tpu.vector_load %arg9[%get3A_136] {strides = array<i32>} : memref<25600xf32, #tpu.memory_space<vmem>>, vector<16xf32>,
      %get3A_138 = vector.shape_cast %get3A_137 : vector<16xf32> to vector<16xf32>
      %lt3A_139 = arith.constant 50 : i32
      %lt3A_140 = vector.broadcast %lt3A_139 : i32 to vector<16xi32>
      %lt3A_141 = arith.cmpi slt, %get3A_133, %lt3A_140 : vector<16xi32>
      %jit3A_142 = arith.constant 0.000000e+00 : f32
      %broadcast_in_dim3A_143 = vector.broadcast %jit3A_142 : f32 to vector<16xf32>
      %select_n3A_144 = arith.select %lt3A_141, %get3A_138, %broadcast_in_dim3A_143 : vector<16xi1>, vector<16xf32>
      %add3A_145 = arith.addf %add3A_128, %select_n3A_144 : vector<16xf32>
      %add3A_146 = arith.constant 80 : i32
      %add3A_147 = arith.addi %mul3A_63, %add3A_146 : i32
      %get3A_148 = arith.index_cast %add3A_147 : i32 to index
      %get3A_149 = tpu.vector_load %arg7[%get3A_148] {strides = array<i32>} : memref<25600xi32, #tpu.memory_space<vmem>>, vector<16xi32>,
      %get3A_150 = vector.shape_cast %get3A_149 : vector<16xi32> to vector<16xi32>
      %add3A_151 = arith.constant 80 : i32
      %add3A_152 = arith.addi %mul3A_63, %add3A_151 : i32
      %get3A_153 = arith.index_cast %add3A_152 : i32 to index
      %get3A_154 = tpu.vector_load %arg9[%get3A_153] {strides = array<i32>} : memref<25600xf32, #tpu.memory_space<vmem>>, vector<16xf32>,
      %get3A_155 = vector.shape_cast %get3A_154 : vector<16xf32> to vector<16xf32>
      %lt3A_156 = arith.constant 50 : i32
      %lt3A_157 = vector.broadcast %lt3A_156 : i32 to vector<16xi32>
      %lt3A_158 = arith.cmpi slt, %get3A_150, %lt3A_157 : vector<16xi32>
      %jit3A_159 = arith.constant 0.000000e+00 : f32
      %broadcast_in_dim3A_160 = vector.broadcast %jit3A_159 : f32 to vector<16xf32>
      %select_n3A_161 = arith.select %lt3A_158, %get3A_155, %broadcast_in_dim3A_160 : vector<16xi1>, vector<16xf32>
      %add3A_162 = arith.addf %add3A_145, %select_n3A_161 : vector<16xf32>
      %add3A_163 = arith.constant 96 : i32
      %add3A_164 = arith.addi %mul3A_63, %add3A_163 : i32
      %get3A_165 = arith.index_cast %add3A_164 : i32 to index
      %get3A_166 = tpu.vector_load %arg7[%get3A_165] {strides = array<i32>} : memref<25600xi32, #tpu.memory_space<vmem>>, vector<16xi32>,
      %get3A_167 = vector.shape_cast %get3A_166 : vector<16xi32> to vector<16xi32>
      %add3A_168 = arith.constant 96 : i32
      %add3A_169 = arith.addi %mul3A_63, %add3A_168 : i32
      %get3A_170 = arith.index_cast %add3A_169 : i32 to index
      %get3A_171 = tpu.vector_load %arg9[%get3A_170] {strides = array<i32>} : memref<25600xf32, #tpu.memory_space<vmem>>, vector<16xf32>,
      %get3A_172 = vector.shape_cast %get3A_171 : vector<16xf32> to vector<16xf32>
      %lt3A_173 = arith.constant 50 : i32
      %lt3A_174 = vector.broadcast %lt3A_173 : i32 to vector<16xi32>
      %lt3A_175 = arith.cmpi slt, %get3A_167, %lt3A_174 : vector<16xi32>
      %jit3A_176 = arith.constant 0.000000e+00 : f32
      %broadcast_in_dim3A_177 = vector.broadcast %jit3A_176 : f32 to vector<16xf32>
      %select_n3A_178 = arith.select %lt3A_175, %get3A_172, %broadcast_in_dim3A_177 : vector<16xi1>, vector<16xf32>
      %add3A_179 = arith.addf %add3A_162, %select_n3A_178 : vector<16xf32>
      %add3A_180 = arith.constant 112 : i32
      %add3A_181 = arith.addi %mul3A_63, %add3A_180 : i32
      %get3A_182 = arith.index_cast %add3A_181 : i32 to index
      %get3A_183 = tpu.vector_load %arg7[%get3A_182] {strides = array<i32>} : memref<25600xi32, #tpu.memory_space<vmem>>, vector<16xi32>,
      %get3A_184 = vector.shape_cast %get3A_183 : vector<16xi32> to vector<16xi32>
      %add3A_185 = arith.constant 112 : i32
      %add3A_186 = arith.addi %mul3A_63, %add3A_185 : i32
      %get3A_187 = arith.index_cast %add3A_186 : i32 to index
      %get3A_188 = tpu.vector_load %arg9[%get3A_187] {strides = array<i32>} : memref<25600xf32, #tpu.memory_space<vmem>>, vector<16xf32>,
      %get3A_189 = vector.shape_cast %get3A_188 : vector<16xf32> to vector<16xf32>
      %lt3A_190 = arith.constant 50 : i32
      %lt3A_191 = vector.broadcast %lt3A_190 : i32 to vector<16xi32>
      %lt3A_192 = arith.cmpi slt, %get3A_184, %lt3A_191 : vector<16xi32>
      %jit3A_193 = arith.constant 0.000000e+00 : f32
      %broadcast_in_dim3A_194 = vector.broadcast %jit3A_193 : f32 to vector<16xf32>
      %select_n3A_195 = arith.select %lt3A_192, %get3A_189, %broadcast_in_dim3A_194 : vector<16xi1>, vector<16xf32>
      %add3A_196 = arith.addf %add3A_179, %select_n3A_195 : vector<16xf32>
      scf.yield %add3A_196 : vector<16xf32>
    }
    %scan3A_19 = arith.constant 200 : i32
    %broadcast_in_dim3A_20 = arith.constant 0 : i32
    %broadcast_in_dim3A_21 = vector.broadcast %broadcast_in_dim3A_20 : i32 to vector<16xi32>
    %get3A = arith.constant 0 : index
    %get3A_22 = tpu.vector_load %arg10[%get3A] {strides = array<i32>} : memref<128xi32, #tpu.memory_space<vmem>>, vector<16xi32>,
    %get3A_23 = vector.shape_cast %get3A_22 : vector<16xi32> to vector<16xi32>
    %add3A_24 = arith.addi %broadcast_in_dim3A_21, %get3A_23 : vector<16xi32>
    %get3A_25 = arith.constant 16 : index
    %get3A_26 = tpu.vector_load %arg10[%get3A_25] {strides = array<i32>} : memref<128xi32, #tpu.memory_space<vmem>>, vector<16xi32>,
    %get3A_27 = vector.shape_cast %get3A_26 : vector<16xi32> to vector<16xi32>
    %add3A_28 = arith.addi %add3A_24, %get3A_27 : vector<16xi32>
    %get3A_29 = arith.constant 32 : index
    %get3A_30 = tpu.vector_load %arg10[%get3A_29] {strides = array<i32>} : memref<128xi32, #tpu.memory_space<vmem>>, vector<16xi32>,
    %get3A_31 = vector.shape_cast %get3A_30 : vector<16xi32> to vector<16xi32>
    %add3A_32 = arith.addi %add3A_28, %get3A_31 : vector<16xi32>
    %get3A_33 = arith.constant 48 : index
    %get3A_34 = tpu.vector_load %arg10[%get3A_33] {strides = array<i32>} : memref<128xi32, #tpu.memory_space<vmem>>, vector<16xi32>,
    %get3A_35 = vector.shape_cast %get3A_34 : vector<16xi32> to vector<16xi32>
    %add3A_36 = arith.addi %add3A_32, %get3A_35 : vector<16xi32>
    %get3A_37 = arith.constant 64 : index
    %get3A_38 = tpu.vector_load %arg10[%get3A_37] {strides = array<i32>} : memref<128xi32, #tpu.memory_space<vmem>>, vector<16xi32>,
    %get3A_39 = vector.shape_cast %get3A_38 : vector<16xi32> to vector<16xi32>
    %add3A_40 = arith.addi %add3A_36, %get3A_39 : vector<16xi32>
    %get3A_41 = arith.constant 80 : index
    %get3A_42 = tpu.vector_load %arg10[%get3A_41] {strides = array<i32>} : memref<128xi32, #tpu.memory_space<vmem>>, vector<16xi32>,
    %get3A_43 = vector.shape_cast %get3A_42 : vector<16xi32> to vector<16xi32>
    %add3A_44 = arith.addi %add3A_40, %get3A_43 : vector<16xi32>
    %get3A_45 = arith.constant 96 : index
    %get3A_46 = tpu.vector_load %arg10[%get3A_45] {strides = array<i32>} : memref<128xi32, #tpu.memory_space<vmem>>, vector<16xi32>,
    %get3A_47 = vector.shape_cast %get3A_46 : vector<16xi32> to vector<16xi32>
    %add3A_48 = arith.addi %add3A_44, %get3A_47 : vector<16xi32>
    %get3A_49 = arith.constant 112 : index
    %get3A_50 = tpu.vector_load %arg10[%get3A_49] {strides = array<i32>} : memref<128xi32, #tpu.memory_space<vmem>>, vector<16xi32>,
    %get3A_51 = vector.shape_cast %get3A_50 : vector<16xi32> to vector<16xi32>
    %add3A_52 = arith.addi %add3A_48, %get3A_51 : vector<16xi32>
    %swap3A = arith.constant 0 : index
    %swap3A_53 = tpu.vector_load %arg11[%swap3A] {strides = array<i32>} : memref<16xf32, #tpu.memory_space<vmem>>, vector<16xf32>,
    %swap3A_54 = vector.shape_cast %swap3A_53 : vector<16xf32> to vector<16xf32>
    %swap3A_55 = vector.shape_cast %scan3A_18 : vector<16xf32> to vector<16xf32>
    tpu.vector_store %arg11[%swap3A], %swap3A_55 {strides = array<i32>} : memref<16xf32, #tpu.memory_space<vmem>>, vector<16xf32>,
    %swap3A_56 = arith.constant 0 : index
    %swap3A_57 = tpu.vector_load %arg12[%swap3A_56] {strides = array<i32>} : memref<16xi32, #tpu.memory_space<vmem>>, vector<16xi32>,
    %swap3A_58 = vector.shape_cast %swap3A_57 : vector<16xi32> to vector<16xi32>
    %swap3A_59 = vector.shape_cast %add3A_52 : vector<16xi32> to vector<16xi32>
    tpu.vector_store %arg12[%swap3A_56], %swap3A_59 {strides = array<i32>} : memref<16xi32, #tpu.memory_space<vmem>>, vector<16xi32>,
    "tpu.region"() ({
      %run_scoped3A = tpu.sem_alloc : memref<!tpu.dma_semaphore, #tpu.memory_space<semaphore_mem>>
      %dma_start3A_60 = arith.constant 0 : i32
      %dma_start3A_61 = tpu.memref_slice %arg5[%add3A, %dma_start3A_60] : memref<32x16xf32, #tpu.memory_space<hbm>> -> memref<1x16xf32, #tpu.memory_space<hbm>>
      %dma_start3A_62 = tpu.memref_squeeze %dma_start3A_61 : memref<1x16xf32, #tpu.memory_space<hbm>> -> memref<16xf32, #tpu.memory_space<hbm>>
      %dma_start3A_63 = arith.constant 0 : i32
      %dma_start3A_64 = tpu.memref_slice %arg5[%add3A, %dma_start3A_63] : memref<32x16xf32, #tpu.memory_space<hbm>> -> memref<1x16xf32, #tpu.memory_space<hbm>>
      %dma_start3A_65 = tpu.memref_squeeze %dma_start3A_64 : memref<1x16xf32, #tpu.memory_space<hbm>> -> memref<16xf32, #tpu.memory_space<hbm>>
      tpu.enqueue_dma source(%arg11 : memref<16xf32, #tpu.memory_space<vmem>>) target(%dma_start3A_65 : memref<16xf32, #tpu.memory_space<hbm>>) target_semaphore(%run_scoped3A : memref<!tpu.dma_semaphore, #tpu.memory_space<semaphore_mem>>)
      %dma_wait3A_66 = arith.constant 0 : i32
      %dma_wait3A_67 = tpu.memref_slice %arg5[%add3A, %dma_wait3A_66] : memref<32x16xf32, #tpu.memory_space<hbm>> -> memref<1x16xf32, #tpu.memory_space<hbm>>
      %dma_wait3A_68 = tpu.memref_squeeze %dma_wait3A_67 : memref<1x16xf32, #tpu.memory_space<hbm>> -> memref<16xf32, #tpu.memory_space<hbm>>
      %dma_wait3A_69 = arith.constant 0 : i32
      %dma_wait3A_70 = tpu.memref_slice %arg5[%add3A, %dma_wait3A_69] : memref<32x16xf32, #tpu.memory_space<hbm>> -> memref<1x16xf32, #tpu.memory_space<hbm>>
      %dma_wait3A_71 = tpu.memref_squeeze %dma_wait3A_70 : memref<1x16xf32, #tpu.memory_space<hbm>> -> memref<16xf32, #tpu.memory_space<hbm>>
      tpu.wait_dma2 semaphore(%run_scoped3A : memref<!tpu.dma_semaphore, #tpu.memory_space<semaphore_mem>>) src(%arg11 : memref<16xf32, #tpu.memory_space<vmem>>) dst(%dma_wait3A_71 : memref<16xf32, #tpu.memory_space<hbm>>)
      tpu.yield
    }) : () -> ()
    "tpu.region"() ({
      %run_scoped3A = tpu.sem_alloc : memref<!tpu.dma_semaphore, #tpu.memory_space<semaphore_mem>>
      %dma_start3A_60 = arith.constant 0 : i32
      %dma_start3A_61 = tpu.memref_slice %arg6[%add3A, %dma_start3A_60] : memref<32x16xi32, #tpu.memory_space<hbm>> -> memref<1x16xi32, #tpu.memory_space<hbm>>
      %dma_start3A_62 = tpu.memref_squeeze %dma_start3A_61 : memref<1x16xi32, #tpu.memory_space<hbm>> -> memref<16xi32, #tpu.memory_space<hbm>>
      %dma_start3A_63 = arith.constant 0 : i32
      %dma_start3A_64 = tpu.memref_slice %arg6[%add3A, %dma_start3A_63] : memref<32x16xi32, #tpu.memory_space<hbm>> -> memref<1x16xi32, #tpu.memory_space<hbm>>
      %dma_start3A_65 = tpu.memref_squeeze %dma_start3A_64 : memref<1x16xi32, #tpu.memory_space<hbm>> -> memref<16xi32, #tpu.memory_space<hbm>>
      tpu.enqueue_dma source(%arg12 : memref<16xi32, #tpu.memory_space<vmem>>) target(%dma_start3A_65 : memref<16xi32, #tpu.memory_space<hbm>>) target_semaphore(%run_scoped3A : memref<!tpu.dma_semaphore, #tpu.memory_space<semaphore_mem>>)
      %dma_wait3A_66 = arith.constant 0 : i32
      %dma_wait3A_67 = tpu.memref_slice %arg6[%add3A, %dma_wait3A_66] : memref<32x16xi32, #tpu.memory_space<hbm>> -> memref<1x16xi32, #tpu.memory_space<hbm>>
      %dma_wait3A_68 = tpu.memref_squeeze %dma_wait3A_67 : memref<1x16xi32, #tpu.memory_space<hbm>> -> memref<16xi32, #tpu.memory_space<hbm>>
      %dma_wait3A_69 = arith.constant 0 : i32
      %dma_wait3A_70 = tpu.memref_slice %arg6[%add3A, %dma_wait3A_69] : memref<32x16xi32, #tpu.memory_space<hbm>> -> memref<1x16xi32, #tpu.memory_space<hbm>>
      %dma_wait3A_71 = tpu.memref_squeeze %dma_wait3A_70 : memref<1x16xi32, #tpu.memory_space<hbm>> -> memref<16xi32, #tpu.memory_space<hbm>>
      tpu.wait_dma2 semaphore(%run_scoped3A : memref<!tpu.dma_semaphore, #tpu.memory_space<semaphore_mem>>) src(%arg12 : memref<16xi32, #tpu.memory_space<vmem>>) dst(%dma_wait3A_71 : memref<16xi32, #tpu.memory_space<hbm>>)
      tpu.yield
    }) : () -> ()
    return
  }
}

</mosaic_0001>

<sc_bundles>
// kernel: _sc_call.3.cloned.1.call-start
scs
__scs_entry_jumppad:
0x0: {  	(pc) =	sbr.rel $0x88, $3  }
0x1: {  	(tag) =	ssettag $0x0;
	lr =	simm.s32 $0x1  }
0x2: {  	[smem:$0x3F9E] =	sst lr;
	_ =	strace $0xD0000000  }
0x3: {  	_ = 	snop  }
0x4: {  	_ = 	snop  }
0x5: {  	_ = 	snop  }
0x6: {  	_ = 	snop  }
0x7: {  	_ = 	snop  }
__scs_overlays_trampoline_lowered:
0x8: {  	[smem:$0x3FAD] =	sst s0  }
0x9: {  	[smem:$0x3FAE] =	sst s1  }
0xa: {  	[smem:$0x3FAF] =	sst s2  }
0xb: {  	[smem:$0x3FB0] =	sst s3  }
0xc: {  	[smem:$0x3FB1] =	sst s4  }
0xd: {  	[smem:$0x3FB2] =	sst s5  }
0xe: {  	[smem:$0x3FB3] =	sst s6  }
0xf: {  	[smem:$0x3FB4] =	sst s7  }
0x10: {  	[smem:$0x3FB5] =	sst s8  }
0x11: {  	[smem:$0x3FB6] =	sst s9;
	s0 =	simm.s32 @!p0 $0x0  }
0x12: {  	s1 =	sld [smem:$0x3F9C];
	s0 =	simm.s32 @p0 $0x1  }
0x13: {  	[smem:$0x3FB7] =	sst s0;
	s0 =	simm.s32 @!p1 $0x0  }
0x14: {  	s2 =	sld [smem:$0x3F9B];
	s0 =	simm.s32 @p1 $0x1  }
0x15: {  	[smem:$0x3FB8] =	sst s0;
	s0 =	simm.s32 @!p2 $0x0  }
0x16: {  	s3 =	sld [smem:$0x3FDB];
	s0 =	simm.s32 @p2 $0x1  }
0x17: {  	s4 =	simm.s32 $0x1BF5;
	[smem:$0x3FBA] =	sst s0  }
0x18: {  	s0 =	sld [smem:$0x3F9D];
	_ =	swait.ge [sflag:s4], $0x0  }
0x19: {  	s7 =	sld [smem:$0x3F9E]  }
0x1a: {  	s8 =	sadd.s32 $0xFFFFE003, lr  }
0x1b: {  	s9 =	sadd.s32 $0xFFFFFEF7, lr;
	s5 =	simm.s32 $0xFFFFFFFF;
	p2 =	slt.u32 s8, $0xFFFFF086  }
0x1c: {  	p1 =	slt.u32 s9, $0xF7A;
	s5 =	simm.s32 @!p2 $0x0  }
0x1d: {  	s5 =	simm.s32 @p1 $0x1;
	p0 =	seq.s32 s7, s2  }
0x1e: {  	s7 =	smul.u32 @!p0 $0xF7A, s2;
	p2 =	seq.s32 @!p0 s5, $0x0  }
0x1f: {  	s9 =	smul.u32 $0xF7A, s1;
	s8 =	simm.s32 @!p0 $0x1BF5;
	p2 =	por !p2, p0  }
0x20: {  	[sflag:s8] =	ssyncset.s32 @!p0 $0xFFFFF086;
	s6 =	sadd.s32 @!p0 s3, s7;
	s7 =	simm.s32 @!p0 $0x108  }
0x21: {  	s3 =	sadd.s32 s3, s9;
	s6 =	sadd.s32 @!p0 $0x88, s6;
	s7 =	simm.s32 @p2 $0x1082  }
0x22: {  	[simem:s7], [sflag:s8] =	dma.local @!p0 [hbm:s6], $0xF7A  }
0x23: {  	s9 =	sor.u32 $0xD0000000, s2;
	s6 =	simm.s32 $0x108;
	_ =	swait.ge @!p0 [sflag:s8], $0x0  }
0x24: {  	s3 =	sadd.s32 $0x88, s3;
	s6 =	simm.s32 @!p1 $0x1082;
	[sflag:s4] =	ssyncset.s32 $0xFFFFF086  }
0x25: {  	[simem:s6], [sflag:s4] =	dma.local [hbm:s3], $0xF7A  }
0x26: {  	[smem:$0x3F9E] =	sst s1;
	(tag) =	ssettag s2;
	_ =	strace s9  }
0x27: {  	s1 =	sld [smem:$0x3FAE]  }
0x28: {  	s2 =	sld [smem:$0x3FAF]  }
0x29: {  	s4 =	sld [smem:$0x3FB1]  }
0x2a: {  	p0 =	seq.s32 s5, $0x0;
	s5 =	sld [smem:$0x3FB2]  }
0x2b: {  	s6 =	sld [smem:$0x3FB3]  }
0x2c: {  	s7 =	sld [smem:$0x3FB4]  }
0x2d: {  	s3 =	simm.s32 $0x108;
	s8 =	sld [smem:$0x3FB5]  }
0x2e: {  	s3 =	simm.s32 @!p0 $0x1082;
	s9 =	sld [smem:$0x3FB6]  }
0x2f: {  	lr =	sadd.s32 s0, s3;
	s0 =	sld [smem:$0x3FAD]  }
0x30: {  	s3 =	sld [smem:$0x3FB0]  }
0x31: {  	[smem:$0x3FB9] =	sst s10  }
0x32: {  	s10 =	sld [smem:$0x3FB7];
	_ =	sdelay $0x3  }
0x33: {  	p0 =	seq.s32 s10, $0x1;
	s10 =	sld [smem:$0x3FB9];
	_ =	sdelay $0x3  }
0x34: {  	[smem:$0x3FB9] =	sst s10  }
0x35: {  	s10 =	sld [smem:$0x3FB8];
	_ =	sdelay $0x3  }
0x36: {  	p1 =	seq.s32 s10, $0x1;
	s10 =	sld [smem:$0x3FB9];
	_ =	sdelay $0x3  }
0x37: {  	[smem:$0x3FB9] =	sst s10  }
0x38: {  	s10 =	sld [smem:$0x3FBA]  }
0x39: {  	_ = 	snop;
	(pc) =	sbr.ind lr, $3  }
0x3a: {  	_ = 	snop  }
0x3b: {  	_ = 	snop  }
0x3c: {  	p2 =	seq.s32 s10, $0x1;
	s10 =	sld [smem:$0x3FB9]  }
0x3d: {  	_ =	shalt  }
0x3e: {  	_ =	shalt  }
0x3f: {  	_ =	shalt  }
0x40: {  	_ =	shalt  }
0x41: {  	_ =	shalt  }
0x42: {  	_ =	shalt  }
0x43: {  	_ =	shalt  }
0x44: {  	_ =	shalt  }
0x45: {  	_ =	shalt  }
0x46: {  	_ =	shalt  }
0x47: {  	_ =	shalt  }
0x48: {  	_ =	shalt  }
0x49: {  	_ =	shalt  }
0x4a: {  	_ =	shalt  }
0x4b: {  	_ =	shalt  }
0x4c: {  	_ =	shalt  }
0x4d: {  	_ =	shalt  }
0x4e: {  	_ =	shalt  }
0x4f: {  	_ =	shalt  }
0x50: {  	_ =	shalt  }
0x51: {  	_ =	shalt  }
0x52: {  	_ =	shalt  }
0x53: {  	_ =	shalt  }
0x54: {  	_ =	shalt  }
0x55: {  	_ =	shalt  }
0x56: {  	_ =	shalt  }
0x57: {  	_ =	shalt  }
0x58: {  	_ =	shalt  }
0x59: {  	_ =	shalt  }
0x5a: {  	_ =	shalt  }
0x5b: {  	_ =	shalt  }
0x5c: {  	_ =	shalt  }
0x5d: {  	_ =	shalt  }
0x5e: {  	_ =	shalt  }
0x5f: {  	_ =	shalt  }
0x60: {  	_ =	shalt  }
0x61: {  	_ =	shalt  }
0x62: {  	_ =	shalt  }
0x63: {  	_ =	shalt  }
0x64: {  	_ =	shalt  }
0x65: {  	_ =	shalt  }
0x66: {  	_ =	shalt  }
0x67: {  	_ =	shalt  }
0x68: {  	_ =	shalt  }
0x69: {  	_ =	shalt  }
0x6a: {  	_ =	shalt  }
0x6b: {  	_ =	shalt  }
0x6c: {  	_ =	shalt  }
0x6d: {  	_ =	shalt  }
0x6e: {  	_ =	shalt  }
0x6f: {  	_ =	shalt  }
0x70: {  	_ =	shalt  }
0x71: {  	_ =	shalt  }
0x72: {  	_ =	shalt  }
0x73: {  	_ =	shalt  }
0x74: {  	_ =	shalt  }
0x75: {  	_ =	shalt  }
0x76: {  	_ =	shalt  }
0x77: {  	_ =	shalt  }
0x78: {  	_ =	shalt  }
0x79: {  	_ =	shalt  }
0x7a: {  	_ =	shalt  }
0x7b: {  	_ =	shalt  }
0x7c: {  	_ =	shalt  }
0x7d: {  	_ =	shalt  }
0x7e: {  	_ =	shalt  }
0x7f: {  	_ =	shalt  }
0x80: {  	_ =	shalt  }
0x81: {  	_ =	shalt  }
0x82: {  	_ =	shalt  }
0x83: {  	_ =	shalt  }
0x84: {  	_ =	shalt  }
0x85: {  	_ =	shalt  }
0x86: {  	_ =	shalt  }
0x87: {  	_ =	shalt  }
.Lfunc_end0:
.L_simem_size_0:
called_computation_lowered:
.L_overlay_start_0:
0x88: {  	s2 =	sld [smem:$0x3FD9]  }
0x89: {  	s3 =	sld [smem:$0x3FFE];
	_ =	sdelay $0x1  }
0x8a: {  	s1 =	srdreg.scid  }
0x8b: {  	s0 =	sand.u32 $0x1, s1  }
0x8c: {  	s17 =	sshll.u32 s0, $0xA;
	s2 =	sadd.s32 s3, s2  }
0x8d: {  	s2 =	sadd.s32 s2, s17  }
0x8e: {  	[smem:$0x3FC5] =	sst s2  }
0x8f: {  	_ = 	snop  }
0x90: {  	s2 =	sld [smem:$0x3FC9]  }
0x91: {  	s18 =	sld [smem:$0x3FC8]  }
0x92: {  	s4 =	sld [smem:$0x3FC7];
	(tm) =	ssettm $0x1  }
0x93: {  	s5 =	sld [smem:$0x3FFB];
	_ =	sdelay $0x3  }
0x94: {  	_ =	strace s5  }
0x95: {  	s5 =	sld [smem:$0x3FFC];
	_ =	sdelay $0x3  }
0x96: {  	_ =	strace s5  }
0x97: {  	s5 =	sld [smem:$0x3FFD];
	_ =	sdelay $0x3  }
0x98: {  	_ =	strace s5  }
0x99: {  	_ =	strace $0x8FFFFFFF  }
0x9a: {  	s19 =	sld [smem:$0x3FDB];
	_ =	sdelay $0x1  }
0x9b: {  	s6 =	simm.s32 $_scs_section_size  }
0x9c: {  	s7 =	simm.s32 $_size__tile_overlayer_lowered;
	s8 =	simm.s32 $_tile_overlayer_lowered  }
0x9d: {  	s22 =	simm.s32 $0x1BFF;
	s21 =	sshll.u32 s8, $0x1;
	s5 =	sadd.s32 s6, s19  }
0x9e: {  	s9 =	simm.s32 $0x0;
	s20 =	sshll.u32 s7, $0x1;
	s7 =	sadd.s32 s21, s5  }
0x9f: {  	[timem:s9], [sflag:s22] =	dma.local [hbm:s7], s20  }
0xa0: {  	_ =	swait.ge [sflag:s22], s20  }
0xa1: {  	s6 =	ssub.s32 $0x0, s20;
	[sflag:s22] =	ssyncset.done $0x0  }
0xa2: {  	[sflag:s22] =	ssyncadd.s32 s6;
	_ =	sdelay $0x1  }
0xa3: {  	s23 =	simm.s32 $0x1B8B  }
0xa4: {  	_ =	swait.ge [sflag:s23], $0x1  }
0xa5: {  	[sflag:s23] =	ssyncset.done $0x0  }
0xa6: {  	s25 =	simm.s32 $0x1B8E;
	s24 =	sld [smem:$0x3FFE];
	[sflag:s23] =	ssyncadd.s32 $0xFFFFFFFF  }
0xa7: {  	s26 =	simm.s32 $execute0_lowered;
	[smem:$0x3FD2] =	sst s25  }
0xa8: {  	s7 =	sshll.u32 s26, $0x1;
	_ =	strace $0x80000046;
	[dreg:$0x1] =	wrdreg $0xFFFFFFFF  }
0xa9: {  	s28 =	simm.s32 $_size_execute0_lowered;
	s5 =	sadd.s32 s5, s7;
	[dreg:$0x0] =	wrdreg $0x0  }
0xaa: {  	s7 =	sshll.u32 s28, $0x1;
	[dreg:$0x2] =	wrdreg s5  }
0xab: {  	[dreg:$0x3] =	wrdreg s7  }
0xac: {  	[dreg:$0x4] =	wrdreg $0xC0  }
0xad: {  	_ =	task [dreg:s9], $0x5FFFF  }
0xae: {  	[dreg:$0x1] =	wrdreg $0xFFFFFFFF  }
0xaf: {  	[dreg:$0x0] =	wrdreg $0x60  }
0xb0: {  	[dreg:$0x2] =	wrdreg s2  }
0xb1: {  	[dreg:$0x3] =	wrdreg s18  }
0xb2: {  	[dreg:$0x4] =	wrdreg s4  }
0xb3: {  	[dreg:$0x5] =	wrdreg s24  }
0xb4: {  	[dreg:$0x6] =	wrdreg $0x9  }
0xb5: {  	_ =	task.clear_ibuf [dreg:s9], $0x7FFFF;
	_ =	strace $0x90000046  }
0xb6: {  	s29 =	simm.s32 $0x9;
	_ =	strace $0x80000048  }
0xb7: {  	_ =	swait.ge [sflag:s29], $0x1  }
0xb8: {  	[sflag:s29] =	ssyncadd.s32 $0xFFFFFFFF  }
0xb9: {  	_ =	strace $0x90000048  }
0xba: {  	_ =	sfence  }
0xbb: {  	s30 =	sld [smem:$0x0];
	_ =	sdelay $0x2  }
0xbc: {  	s31 =	sshll.u32 s1, $0xD;
	s1 =	sshrl.u32 s1, $0x2  }
0xbd: {  	s3 =	sand.u32 $0x4000, s31;
	s1 =	sadd.s32 s1, s30  }
0xbe: {  	s0 =	sor.u32 s3, s0;
	s1 =	sshll.u32 s1, $0x11  }
0xbf: {  	s0 =	sor.u32 s1, s0  }
0xc0: {  	s0 =	sadd.s32 $0x8F2B, s0  }
0xc1: {  	[sflag:s0] =	ssyncadd.remote.s32 $0x1  }
0xc2: {  	_ =	sfence.sel $0xFFFF  }
0xc3: {  	[dreg:$0x0] =	wrdreg $0xFFFFFFFF;
	(pc) =	sbr.abs _section_cstart, $3  }
0xc4: {  	[dreg:$0x1] =	wrdreg $0xFFFFFFFF  }
0xc5: {  	_ =	task.clear_ibuf [dreg:s9], $0x2FFFF;
	_ =	strace $0x9FFFFFFF  }
0xc6: {  	(tm) =	ssettm $0x7FFFFFFF  }
0xc7: {  	_ =	shalt  }
tec
execute0_lowered:
.L_overlay_start_1:
0x0: {  	(tag) =	ssettag $0x1  }
0x1: {  	s1 =	rddreg [dreg:$0x0]  }
0x2: {  	s4 =	rddreg [dreg:$0x1]  }
0x3: {  	s5 =	rddreg [dreg:$0x2]  }
0x4: {  	s6 =	rddreg [dreg:$0x3]  }
0x5: {  	s0 =	rddreg [dreg:$0x4];
	s7 =	srdreg.scid  }
0x6: {  	s2 =	stileid.u32;
	s3 =	simm.s32 $0x0;
	s13 =	simm.s32 $0xC800  }
0x7: {  	s14 =	simm.s32 $0x1;
	s15 =	simm.s32 $0x12C80;
	s16 =	simm.s32 $0x12D00  }
0x8: {  	s17 =	simm.s32 $0x0;
	s7 =	sand.u32 $0x1, s7;
	s8 =	sshll.u32 s2, $0x1  }
0x9: {  	[smem:$0x7FF] =	sst s3;
	s12 =	smul.u32 $0xC800, s2;
	s8 =	sor.u32 s7, s8  }
0xa: {  	s10 =	ssub.s32 $0x2, s7;
	_ =	strace $0x80000047;
	s31 =	smul.u32 $0x6400, s7  }
0xb: {  	s9 =	sshll.u32 s8, $0x4;
	s8 =	smul.u32 $0x6400, s8;
	s29 =	sshrl.u32 s10, $0x1  }
0xc: {  	s11 =	sadd.s32 s9, s6;
	s10 =	ssub.s32 s10, s29;
	s5 =	sadd.s32 s5, s9  }
0xd: {  	s9 =	sadd.s32 s31, s12;
	s12 =	simm.s32 $0x6400;
	s30 =	sshrl.u32 s8, $0x3  }
0xe: {  	v0 =	vlaneseq.u32;
	s6 =	sadd.s32 $0x800, s11;
	s7 =	sadd.s32 $0xA00, s11;
	s8 =	smax.u32 s10, $0x1  }
0xf: {  	v0 =	vmul.u32 $0x32, v0;
	s10 =	simm.s32 $0x2;
	s11 =	simm.s32 $0x12C00;
	s4 =	sadd.s32 s4, s30  }
.LBB2_1:
0x10: {  	[tilespmem:s3], [sflag:$0x2] =	stream.linear.gather [hbm4b:s4+s3], $0x6400, $0x38;
	[tilespmem:$0x12D80] =	vst v63  }
0x11: {  	_ =	swait.ge [sflag:s10], $0x6400  }
0x12: {  	[sflag:s10] =	ssyncset.done $0x0  }
0x13: {  	[sflag:s10] =	ssyncadd.s32 $0xFFFF9C00  }
0x14: {  	[tilespmem:s11], [sflag:$0x2] =	stream.linear.gather [hbm4b:s5+s3], $0x80, $0x38;
	[tilespmem:$0x12D80] =	vst v63  }
0x15: {  	_ =	swait.ge [sflag:s10], $0x80  }
0x16: {  	[sflag:s10] =	ssyncset.done $0x0  }
0x17: {  	s19 =	simm.s32 $0x40;
	[sflag:s10] =	ssyncadd.s32 $0xFFFFFF80  }
0x18: {  	v1 =	vld [tilespmem:s19+$0xFFFFFFC0]  }
0x19: {  	s20 =	sadd.s32 $0x0, s9  }
0x1a: {  	v2 =	vmov s20  }
0x1b: {  	v2 =	vmul.u32 $0x32, v2;
	_ =	sdelay $0x1  }
0x1c: {  	v2 =	vbroadcast v2, $0x0;
	vm0 =	vlt.s32 v1, $0x31  }
0x1d: {  	v1 =	vnsel vm0, $0x31, v1  }
0x1e: {  	v1 =	vadd.s32 v1, v2  }
0x1f: {  	s18 =	simm.s32 $0x6440;
	v1 =	vadd.s32 v0, v1  }
0x20: {  	[tilespmem:s18+$0xFFFFFFC0] =	vst v1  }
0x21: {  	v1 =	vld [tilespmem:s19+$0xFFFFFFD0]  }
0x22: {  	s21 =	sadd.s32 $0x10, s20  }
0x23: {  	v2 =	vmov s21  }
0x24: {  	v2 =	vmul.u32 $0x32, v2;
	_ =	sdelay $0x1  }
0x25: {  	v2 =	vbroadcast v2, $0x0;
	vm9 =	vlt.s32 v1, $0x31  }
0x26: {  	v1 =	vnsel vm9, $0x31, v1  }
0x27: {  	v1 =	vadd.s32 v1, v2  }
0x28: {  	v1 =	vadd.s32 v0, v1  }
0x29: {  	[tilespmem:s18+$0xFFFFFFD0] =	vst v1  }
0x2a: {  	v1 =	vld [tilespmem:s19+$0xFFFFFFE0]  }
0x2b: {  	s25 =	sadd.s32 $0x20, s20  }
0x2c: {  	v2 =	vmov s25  }
0x2d: {  	v2 =	vmul.u32 $0x32, v2;
	_ =	sdelay $0x1  }
0x2e: {  	v2 =	vbroadcast v2, $0x0;
	vm10 =	vlt.s32 v1, $0x31  }
0x2f: {  	v1 =	vnsel vm10, $0x31, v1  }
0x30: {  	v1 =	vadd.s32 v1, v2  }
0x31: {  	v1 =	vadd.s32 v0, v1  }
0x32: {  	[tilespmem:s18+$0xFFFFFFE0] =	vst v1  }
0x33: {  	v1 =	vld [tilespmem:s19+$0xFFFFFFF0]  }
0x34: {  	s26 =	sadd.s32 $0x30, s20  }
0x35: {  	v2 =	vmov s26  }
0x36: {  	v2 =	vmul.u32 $0x32, v2;
	_ =	sdelay $0x1  }
0x37: {  	v2 =	vbroadcast v2, $0x0;
	vm11 =	vlt.s32 v1, $0x31  }
0x38: {  	v1 =	vnsel vm11, $0x31, v1  }
0x39: {  	v1 =	vadd.s32 v1, v2  }
0x3a: {  	v1 =	vadd.s32 v0, v1  }
0x3b: {  	[tilespmem:s18+$0xFFFFFFF0] =	vst v1  }
0x3c: {  	v1 =	vld [tilespmem:s19+$0x0]  }
0x3d: {  	s28 =	sadd.s32 $0x40, s20  }
0x3e: {  	v2 =	vmov s28  }
0x3f: {  	v2 =	vmul.u32 $0x32, v2;
	_ =	sdelay $0x1  }
0x40: {  	v2 =	vbroadcast v2, $0x0;
	vm12 =	vlt.s32 v1, $0x31  }
0x41: {  	v1 =	vnsel vm12, $0x31, v1  }
0x42: {  	v1 =	vadd.s32 v1, v2  }
0x43: {  	v1 =	vadd.s32 v0, v1  }
0x44: {  	[tilespmem:s18+$0x0] =	vst v1  }
0x45: {  	v1 =	vld [tilespmem:s19+$0x10]  }
0x46: {  	s29 =	sadd.s32 $0x50, s20  }
0x47: {  	v2 =	vmov s29  }
0x48: {  	v2 =	vmul.u32 $0x32, v2;
	_ =	sdelay $0x1  }
0x49: {  	v2 =	vbroadcast v2, $0x0;
	vm13 =	vlt.s32 v1, $0x31  }
0x4a: {  	v1 =	vnsel vm13, $0x31, v1  }
0x4b: {  	v1 =	vadd.s32 v1, v2  }
0x4c: {  	v1 =	vadd.s32 v0, v1  }
0x4d: {  	[tilespmem:s18+$0x10] =	vst v1  }
0x4e: {  	v1 =	vld [tilespmem:s19+$0x20]  }
0x4f: {  	s30 =	sadd.s32 $0x60, s20  }
0x50: {  	v2 =	vmov s30  }
0x51: {  	v2 =	vmul.u32 $0x32, v2;
	_ =	sdelay $0x1  }
0x52: {  	v2 =	vbroadcast v2, $0x0;
	vm14 =	vlt.s32 v1, $0x31  }
0x53: {  	v1 =	vnsel vm14, $0x31, v1  }
0x54: {  	v1 =	vadd.s32 v1, v2  }
0x55: {  	v1 =	vadd.s32 v0, v1  }
0x56: {  	[tilespmem:s18+$0x20] =	vst v1  }
0x57: {  	v1 =	vld [tilespmem:s19+$0x30]  }
0x58: {  	s31 =	sadd.s32 $0x70, s20  }
0x59: {  	v2 =	vmov s31  }
0x5a: {  	v2 =	vmul.u32 $0x32, v2;
	_ =	sdelay $0x1  }
0x5b: {  	v2 =	vbroadcast v2, $0x0;
	vm15 =	vlt.s32 v1, $0x31  }
0x5c: {  	v1 =	vnsel vm15, $0x31, v1  }
0x5d: {  	v1 =	vadd.s32 v1, v2  }
0x5e: {  	v1 =	vadd.s32 v0, v1  }
0x5f: {  	s19 =	simm.s32 $0xC0;
	[tilespmem:s18+$0x30] =	vst v1  }
0x60: {  	s20 =	simm.s32 $0x80;
	s21 =	simm.s32 $0x100;
	v1 =	vld [tilespmem:s19+$0xFFFFFFC0]  }
.LBB2_2:
0x61: {  	p0 =	sne.s32 s21, $0x6380;
	s22 =	sadd.s32 s20, s9;
	s20 =	smov.u32 s21  }
0x62: {  	v2 =	vmov s22  }
0x63: {  	v2 =	vmul.u32 $0x32, v2;
	_ =	sdelay $0x1  }
0x64: {  	vm0 =	vlt.s32 v1, $0x31;
	v2 =	vbroadcast v2, $0x0  }
0x65: {  	v1 =	vnsel vm0, $0x31, v1  }
0x66: {  	v1 =	vadd.s32 v1, v2  }
0x67: {  	s18 =	sadd.s32 $0x80, s18;
	v1 =	vadd.s32 v0, v1  }
0x68: {  	[tilespmem:s18+$0xFFFFFFC0] =	vst v1  }
0x69: {  	v1 =	vld [tilespmem:s19+$0xFFFFFFD0]  }
0x6a: {  	s23 =	sadd.s32 $0x10, s22  }
0x6b: {  	v2 =	vmov s23  }
0x6c: {  	v2 =	vmul.u32 $0x32, v2;
	_ =	sdelay $0x1  }
0x6d: {  	v2 =	vbroadcast v2, $0x0;
	vm0 =	vlt.s32 v1, $0x31  }
0x6e: {  	v1 =	vnsel vm0, $0x31, v1  }
0x6f: {  	v1 =	vadd.s32 v1, v2  }
0x70: {  	v1 =	vadd.s32 v0, v1  }
0x71: {  	[tilespmem:s18+$0xFFFFFFD0] =	vst v1  }
0x72: {  	v1 =	vld [tilespmem:s19+$0xFFFFFFE0]  }
0x73: {  	s23 =	sadd.s32 $0x20, s22  }
0x74: {  	v2 =	vmov s23  }
0x75: {  	v2 =	vmul.u32 $0x32, v2;
	_ =	sdelay $0x1  }
0x76: {  	v2 =	vbroadcast v2, $0x0;
	vm0 =	vlt.s32 v1, $0x31  }
0x77: {  	v1 =	vnsel vm0, $0x31, v1  }
0x78: {  	v1 =	vadd.s32 v1, v2  }
0x79: {  	v1 =	vadd.s32 v0, v1  }
0x7a: {  	[tilespmem:s18+$0xFFFFFFE0] =	vst v1  }
0x7b: {  	v1 =	vld [tilespmem:s19+$0xFFFFFFF0]  }
0x7c: {  	s23 =	sadd.s32 $0x30, s22  }
0x7d: {  	v2 =	vmov s23  }
0x7e: {  	v2 =	vmul.u32 $0x32, v2;
	_ =	sdelay $0x1  }
0x7f: {  	v2 =	vbroadcast v2, $0x0;
	vm0 =	vlt.s32 v1, $0x31  }
0x80: {  	v1 =	vnsel vm0, $0x31, v1  }
0x81: {  	v1 =	vadd.s32 v1, v2  }
0x82: {  	v1 =	vadd.s32 v0, v1  }
0x83: {  	[tilespmem:s18+$0xFFFFFFF0] =	vst v1  }
0x84: {  	v1 =	vld [tilespmem:s19+$0x0]  }
0x85: {  	s23 =	sadd.s32 $0x40, s22  }
0x86: {  	v2 =	vmov s23  }
0x87: {  	v2 =	vmul.u32 $0x32, v2;
	_ =	sdelay $0x1  }
0x88: {  	v2 =	vbroadcast v2, $0x0;
	vm0 =	vlt.s32 v1, $0x31  }
0x89: {  	v1 =	vnsel vm0, $0x31, v1  }
0x8a: {  	v1 =	vadd.s32 v1, v2  }
0x8b: {  	v1 =	vadd.s32 v0, v1  }
0x8c: {  	[tilespmem:s18+$0x0] =	vst v1  }
0x8d: {  	v1 =	vld [tilespmem:s19+$0x10]  }
0x8e: {  	s23 =	sadd.s32 $0x50, s22  }
0x8f: {  	v2 =	vmov s23  }
0x90: {  	v2 =	vmul.u32 $0x32, v2;
	_ =	sdelay $0x1  }
0x91: {  	v2 =	vbroadcast v2, $0x0;
	vm0 =	vlt.s32 v1, $0x31  }
0x92: {  	v1 =	vnsel vm0, $0x31, v1  }
0x93: {  	v1 =	vadd.s32 v1, v2  }
0x94: {  	v1 =	vadd.s32 v0, v1  }
0x95: {  	[tilespmem:s18+$0x10] =	vst v1  }
0x96: {  	v1 =	vld [tilespmem:s19+$0x20]  }
0x97: {  	s23 =	sadd.s32 $0x60, s22  }
0x98: {  	v2 =	vmov s23  }
0x99: {  	v2 =	vmul.u32 $0x32, v2;
	_ =	sdelay $0x1  }
0x9a: {  	v2 =	vbroadcast v2, $0x0;
	vm0 =	vlt.s32 v1, $0x31  }
0x9b: {  	v1 =	vnsel vm0, $0x31, v1  }
0x9c: {  	v1 =	vadd.s32 v1, v2  }
0x9d: {  	v1 =	vadd.s32 v0, v1  }
0x9e: {  	[tilespmem:s18+$0x20] =	vst v1  }
0x9f: {  	v1 =	vld [tilespmem:s19+$0x30]  }
0xa0: {  	s22 =	sadd.s32 $0x70, s22  }
0xa1: {  	v2 =	vmov s22  }
0xa2: {  	v2 =	vmul.u32 $0x32, v2;
	_ =	sdelay $0x1  }
0xa3: {  	v2 =	vbroadcast v2, $0x0;
	vm0 =	vlt.s32 v1, $0x31  }
.Ltmp0:
0xa4: {  	v1 =	vnsel vm0, $0x31, v1;
	(pc) =	sbr.rel @p0 .LBB2_2-.Ltmp0, $4  }
0xa5: {  	v1 =	vadd.s32 v1, v2  }
0xa6: {  	v1 =	vadd.s32 v0, v1  }
0xa7: {  	s19 =	sadd.s32 $0x80, s19;
	[tilespmem:s18+$0x30] =	vst v1  }
0xa8: {  	s21 =	sadd.s32 $0x80, s21;
	v1 =	vld [tilespmem:s19+$0xFFFFFFC0]  }
0xa9: {  	s20 =	sadd.s32 s20, s9  }
0xaa: {  	v2 =	vmov s20  }
0xab: {  	v2 =	vmul.u32 $0x32, v2;
	_ =	sdelay $0x1  }
0xac: {  	vm0 =	vlt.s32 v1, $0x31;
	v2 =	vbroadcast v2, $0x0  }
0xad: {  	v1 =	vnsel vm0, $0x31, v1  }
0xae: {  	v1 =	vadd.s32 v1, v2  }
0xaf: {  	s18 =	sadd.s32 $0x80, s18;
	v1 =	vadd.s32 v0, v1  }
0xb0: {  	[tilespmem:s18+$0xFFFFFFC0] =	vst v1  }
0xb1: {  	v1 =	vld [tilespmem:s19+$0xFFFFFFD0]  }
0xb2: {  	s21 =	sadd.s32 $0x10, s20  }
0xb3: {  	v2 =	vmov s21  }
0xb4: {  	v2 =	vmul.u32 $0x32, v2;
	_ =	sdelay $0x1  }
0xb5: {  	v2 =	vbroadcast v2, $0x0;
	vm0 =	vlt.s32 v1, $0x31  }
0xb6: {  	v1 =	vnsel vm0, $0x31, v1  }
0xb7: {  	v1 =	vadd.s32 v1, v2  }
0xb8: {  	v1 =	vadd.s32 v0, v1  }
0xb9: {  	[tilespmem:s18+$0xFFFFFFD0] =	vst v1  }
0xba: {  	v1 =	vld [tilespmem:s19+$0xFFFFFFE0]  }
0xbb: {  	s24 =	sadd.s32 $0x20, s20  }
0xbc: {  	v2 =	vmov s24  }
0xbd: {  	v2 =	vmul.u32 $0x32, v2;
	_ =	sdelay $0x1  }
0xbe: {  	v2 =	vbroadcast v2, $0x0;
	vm0 =	vlt.s32 v1, $0x31  }
0xbf: {  	v1 =	vnsel vm0, $0x31, v1  }
0xc0: {  	v1 =	vadd.s32 v1, v2  }
0xc1: {  	v1 =	vadd.s32 v0, v1  }
0xc2: {  	[tilespmem:s18+$0xFFFFFFE0] =	vst v1  }
0xc3: {  	v1 =	vld [tilespmem:s19+$0xFFFFFFF0]  }
0xc4: {  	s25 =	sadd.s32 $0x30, s20  }
0xc5: {  	v2 =	vmov s25  }
0xc6: {  	v2 =	vmul.u32 $0x32, v2;
	_ =	sdelay $0x1  }
0xc7: {  	v2 =	vbroadcast v2, $0x0;
	vm0 =	vlt.s32 v1, $0x31  }
0xc8: {  	v1 =	vnsel vm0, $0x31, v1  }
0xc9: {  	v1 =	vadd.s32 v1, v2  }
0xca: {  	v1 =	vadd.s32 v0, v1  }
0xcb: {  	[tilespmem:s18+$0xFFFFFFF0] =	vst v1  }
0xcc: {  	v1 =	vld [tilespmem:s19+$0x0]  }
0xcd: {  	s26 =	sadd.s32 $0x40, s20  }
0xce: {  	v2 =	vmov s26  }
0xcf: {  	v2 =	vmul.u32 $0x32, v2;
	_ =	sdelay $0x1  }
0xd0: {  	v2 =	vbroadcast v2, $0x0;
	vm0 =	vlt.s32 v1, $0x31  }
0xd1: {  	v1 =	vnsel vm0, $0x31, v1  }
0xd2: {  	v1 =	vadd.s32 v1, v2  }
0xd3: {  	v1 =	vadd.s32 v0, v1  }
0xd4: {  	[tilespmem:s18+$0x0] =	vst v1  }
0xd5: {  	v1 =	vld [tilespmem:s19+$0x10]  }
0xd6: {  	s28 =	sadd.s32 $0x50, s20  }
0xd7: {  	v2 =	vmov s28  }
0xd8: {  	v2 =	vmul.u32 $0x32, v2;
	_ =	sdelay $0x1  }
0xd9: {  	v2 =	vbroadcast v2, $0x0;
	vm0 =	vlt.s32 v1, $0x31  }
0xda: {  	v1 =	vnsel vm0, $0x31, v1  }
0xdb: {  	v1 =	vadd.s32 v1, v2  }
0xdc: {  	v1 =	vadd.s32 v0, v1  }
0xdd: {  	[tilespmem:s18+$0x10] =	vst v1  }
0xde: {  	v1 =	vld [tilespmem:s19+$0x20]  }
0xdf: {  	s29 =	sadd.s32 $0x60, s20  }
0xe0: {  	v2 =	vmov s29  }
0xe1: {  	v2 =	vmul.u32 $0x32, v2;
	_ =	sdelay $0x1  }
0xe2: {  	v2 =	vbroadcast v2, $0x0;
	vm0 =	vlt.s32 v1, $0x31  }
0xe3: {  	v1 =	vnsel vm0, $0x31, v1  }
0xe4: {  	v1 =	vadd.s32 v1, v2  }
0xe5: {  	v1 =	vadd.s32 v0, v1  }
0xe6: {  	[tilespmem:s18+$0x20] =	vst v1  }
0xe7: {  	v1 =	vld [tilespmem:s19+$0x30]  }
0xe8: {  	s30 =	sadd.s32 $0x70, s20  }
0xe9: {  	v2 =	vmov s30  }
0xea: {  	v2 =	vmul.u32 $0x32, v2;
	_ =	sdelay $0x1  }
0xeb: {  	v2 =	vbroadcast v2, $0x0;
	vm0 =	vlt.s32 v1, $0x31  }
0xec: {  	v1 =	vnsel vm0, $0x31, v1  }
0xed: {  	v1 =	vadd.s32 v1, v2  }
0xee: {  	v1 =	vadd.s32 v0, v1  }
0xef: {  	[tilespmem:s18+$0x30] =	vst v1  }
0xf0: {  	[tilespmem:s13], [sflag:$0x1] =	stream.indirect.gather [hbm4b:s1+s12], $0x1, s12, s12, $0xb8;
	[tilespmem:$0x12D80] =	vst v63  }
0xf1: {  	_ =	swait.ge [sflag:s14], $0x6400  }
0xf2: {  	[sflag:s14] =	ssyncset.done $0x0  }
0xf3: {  	s31 =	simm.s32 $0x0;
	[sflag:s14] =	ssyncadd.s32 $0xFFFF9C00  }
0xf4: {  	v1 =	vld [tilespmem:s31+$0x0]  }
0xf5: {  	v2 =	vld [tilespmem:s31+$0xC800]  }
0xf6: {  	v3 =	vld [tilespmem:s31+$0x10]  }
0xf7: {  	v4 =	vld [tilespmem:s31+$0xC810]  }
0xf8: {  	v5 =	vld [tilespmem:s31+$0x20]  }
0xf9: {  	vm0 =	vlt.s32 v1, $0x32;
	v1 =	vld [tilespmem:s31+$0xC820]  }
0xfa: {  	v6 =	vimm.f32 $0.0e+00;
	v7 =	vld [tilespmem:s31+$0x30];
	v2 =	vnsel vm0, $0x0, v2  }
0xfb: {  	vm0 =	vlt.s32 v3, $0x32;
	v2 =	vadd.f32 v2, v6;
	v6 =	vld [tilespmem:s31+$0xC830]  }
0xfc: {  	v3 =	vnsel vm0, $0x0, v4;
	v4 =	vld [tilespmem:s31+$0x40]  }
0xfd: {  	vm0 =	vlt.s32 v5, $0x32;
	v5 =	vld [tilespmem:s31+$0xC840];
	v2 =	vadd.f32 v3, v2  }
0xfe: {  	v8 =	vld [tilespmem:s31+$0x50];
	v1 =	vnsel vm0, $0x0, v1  }
0xff: {  	v3 =	vld [tilespmem:s31+$0xC850];
	vm0 =	vlt.s32 v7, $0x32;
	v2 =	vadd.f32 v1, v2  }
0x100: {  	v1 =	vld [tilespmem:s31+$0x60];
	v6 =	vnsel vm0, $0x0, v6  }
0x101: {  	vm0 =	vlt.s32 v4, $0x32;
	v4 =	vld [tilespmem:s31+$0xC860];
	v6 =	vadd.f32 v6, v2  }
0x102: {  	v5 =	vnsel vm0, $0x0, v5;
	v2 =	vld [tilespmem:s31+$0x70]  }
0x103: {  	s19 =	simm.s32 $0x400;
	s18 =	simm.s32 $0x80;
	vm0 =	vlt.s32 v8, $0x32;
	v6 =	vadd.f32 v5, v6;
	v5 =	vld [tilespmem:s31+$0xC870]  }
.LBB2_4:
0x104: {  	p0 =	sne.s32 s19, $0x18E00;
	v7 =	vld [tilespmem:s18+$0x0];
	v3 =	vnsel vm0, $0x0, v3  }
0x105: {  	v8 =	vld [tilespmem:s18+$0xC800];
	v3 =	vadd.f32 v3, v6;
	vm0 =	vlt.s32 v1, $0x32  }
0x106: {  	v1 =	vld [tilespmem:s18+$0x10];
	v4 =	vnsel vm0, $0x0, v4  }
0x107: {  	v6 =	vld [tilespmem:s18+$0xC810];
	v3 =	vadd.f32 v4, v3;
	vm0 =	vlt.s32 v2, $0x32  }
0x108: {  	v2 =	vld [tilespmem:s18+$0x20];
	v4 =	vnsel vm0, $0x0, v5  }
0x109: {  	vm0 =	vlt.s32 v7, $0x32;
	v5 =	vld [tilespmem:s18+$0xC820];
	v3 =	vadd.f32 v4, v3  }
0x10a: {  	v4 =	vnsel vm0, $0x0, v8;
	v7 =	vld [tilespmem:s18+$0x30]  }
0x10b: {  	v3 =	vadd.f32 v4, v3;
	vm0 =	vlt.s32 v1, $0x32;
	v1 =	vld [tilespmem:s18+$0xC830]  }
0x10c: {  	v4 =	vnsel vm0, $0x0, v6;
	v6 =	vld [tilespmem:s18+$0x40]  }
0x10d: {  	v3 =	vadd.f32 v4, v3;
	vm0 =	vlt.s32 v2, $0x32;
	v2 =	vld [tilespmem:s18+$0xC840]  }
0x10e: {  	v4 =	vnsel vm0, $0x0, v5;
	v5 =	vld [tilespmem:s18+$0x50]  }
.Ltmp1:
0x10f: {  	v4 =	vadd.f32 v4, v3;
	vm0 =	vlt.s32 v7, $0x32;
	v3 =	vld [tilespmem:s18+$0xC850];
	(pc) =	sbr.rel @p0 .LBB2_4-.Ltmp1, $4  }
0x110: {  	v7 =	vnsel vm0, $0x0, v1;
	v1 =	vld [tilespmem:s18+$0x60]  }
0x111: {  	v7 =	vadd.f32 v7, v4;
	vm0 =	vlt.s32 v6, $0x32;
	v4 =	vld [tilespmem:s18+$0xC860]  }
0x112: {  	v6 =	vnsel vm0, $0x0, v2;
	v2 =	vld [tilespmem:s18+$0x70]  }
0x113: {  	v6 =	vadd.f32 v6, v7;
	vm0 =	vlt.s32 v5, $0x32;
	v5 =	vld [tilespmem:s18+$0xC870];
	s18 =	sshra.s32 s19, $0x2;
	s19 =	sadd.s32 $0x200, s19  }
0x114: {  	v7 =	vld [tilespmem:s18+$0x0]  }
0x115: {  	v8 =	vld [tilespmem:s18+$0xC800]  }
0x116: {  	v9 =	vld [tilespmem:s18+$0x10]  }
0x117: {  	v10 =	vld [tilespmem:s18+$0xC810]  }
0x118: {  	v11 =	vld [tilespmem:s18+$0x20]  }
0x119: {  	v12 =	vld [tilespmem:s18+$0xC820]  }
0x11a: {  	v48 =	vld [tilespmem:s18+$0xC830]  }
0x11b: {  	v3 =	vnsel vm0, $0x0, v3;
	v50 =	vld [tilespmem:s18+$0xC840]  }
0x11c: {  	v51 =	vld [tilespmem:s18+$0x50];
	v3 =	vadd.f32 v3, v6;
	vm6 =	vlt.s32 v1, $0x32  }
0x11d: {  	v52 =	vld [tilespmem:s18+$0xC850];
	v4 =	vnsel vm6, $0x0, v4  }
0x11e: {  	v53 =	vld [tilespmem:s18+$0x60];
	v3 =	vadd.f32 v4, v3;
	vm7 =	vlt.s32 v2, $0x32  }
0x11f: {  	v54 =	vld [tilespmem:s18+$0xC860];
	v49 =	vnsel vm7, $0x0, v5  }
0x120: {  	v1 =	vld [tilespmem:s18+$0x30];
	vm8 =	vlt.s32 v7, $0x32;
	v3 =	vadd.f32 v49, v3  }
0x121: {  	v2 =	vld [tilespmem:s18+$0x40];
	v7 =	vnsel vm8, $0x0, v8  }
0x122: {  	v55 =	vld [tilespmem:s18+$0x70];
	vm9 =	vlt.s32 v9, $0x32;
	v3 =	vadd.f32 v7, v3  }
0x123: {  	v56 =	vld [tilespmem:s18+$0xC870];
	v9 =	vnsel vm9, $0x0, v10  }
0x124: {  	v57 =	vld [tilespmem:$0x12C10];
	vm10 =	vlt.s32 v11, $0x32;
	v3 =	vadd.f32 v9, v3  }
0x125: {  	v11 =	vnsel vm10, $0x0, v12;
	vm11 =	vlt.s32 v1, $0x32;
	v1 =	vld [tilespmem:$0x12C00]  }
0x126: {  	vm12 =	vlt.s32 v2, $0x32;
	v2 =	vld [tilespmem:$0x12C20];
	v3 =	vadd.f32 v11, v3  }
0x127: {  	v58 =	vld [tilespmem:$0x12C30];
	v6 =	vnsel vm11, $0x0, v48  }
0x128: {  	v59 =	vld [tilespmem:$0x12C40];
	v3 =	vadd.f32 v6, v3  }
0x129: {  	v61 =	vld [tilespmem:$0x12C50];
	v5 =	vnsel vm12, $0x0, v50  }
0x12a: {  	v62 =	vld [tilespmem:$0x12C60];
	vm13 =	vlt.s32 v51, $0x32;
	v1 =	vadd.s32 v1, v57;
	v3 =	vadd.f32 v5, v3  }
0x12b: {  	v60 =	vnsel vm13, $0x0, v52;
	v1 =	vadd.s32 v2, v1;
	v2 =	vld [tilespmem:$0x12C70]  }
0x12c: {  	vm14 =	vlt.s32 v53, $0x32;
	v1 =	vadd.s32 v58, v1;
	v3 =	vadd.f32 v60, v3  }
0x12d: {  	v7 =	vnsel vm14, $0x0, v54;
	v1 =	vadd.s32 v59, v1  }
0x12e: {  	vm15 =	vlt.s32 v55, $0x32;
	v1 =	vadd.s32 v61, v1;
	v3 =	vadd.f32 v7, v3  }
0x12f: {  	v63 =	vnsel vm15, $0x0, v56;
	v1 =	vadd.s32 v62, v1  }
0x130: {  	v1 =	vadd.s32 v2, v1;
	v3 =	vadd.f32 v63, v3  }
0x131: {  	[tilespmem:$0x12D00] =	vst v1  }
0x132: {  	[tilespmem:$0x12C80] =	vst v3  }
0x133: {  	[hbm4b:s6+s3] =	stream.linear.scatter [tilespmem:s15], [sflag:$0x2], $0x80, $0x38;
	[tilespmem:$0x12D80] =	vst v63  }
0x134: {  	s17 =	sadd.s32 $0x1, s17;
	_ =	swait.ge [sflag:s10], $0x80  }
0x135: {  	p0 =	sne.s32 s17, s8;
	[sflag:s10] =	ssyncset.done $0x0  }
.Ltmp2:
0x136: {  	[sflag:s10] =	ssyncadd.s32 $0xFFFFFF80;
	(pc) =	sbr.rel @p0 .LBB2_1-.Ltmp2, $4  }
0x137: {  	[hbm4b:s7+s3] =	stream.linear.scatter [tilespmem:s16], [sflag:$0x2], $0x80, $0x38;
	[tilespmem:$0x12D80] =	vst v63  }
0x138: {  	_ =	swait.ge [sflag:s10], $0x80  }
0x139: {  	[sflag:s10] =	ssyncset.done $0x0  }
0x13a: {  	[sflag:s10] =	ssyncadd.s32 $0xFFFFFF80  }
0x13b: {  	_ =	sfence.sel $0x180000  }
0x13c: {  	[bflag:$0x0] =	sbarrier.arrive $0xFFFF  }
0x13d: {  	p0 =	sne.s32 s2, $0x0;
	_ =	strace $0x90000047  }
0x13e: {  	s0 =	sadd.s32 @!p0 $0x100000, s0;
	[bflag:$0x2] =	sbarrier.arrive $0xFFFF  }
0x13f: {  	[sflag:s0] =	ssyncadd.tile.s32 @!p0 $0x1;
	_ =	shalt  }
.Lfunc_end2:
_tile_overlayer_lowered:
.L_overlay_start_2:
0x140: {  	(tag) =	ssettag $0x2  }
0x141: {  	s0 =	rddreg [dreg:$0x0];
	s2 =	stileid.u32  }
0x142: {  	s1 =	rddreg [dreg:$0x1];
	p0 =	sne.s32 s2, $0x0  }
0x143: {  	s3 =	rddreg [dreg:$0x2];
	[bflag:$0x3] =	sbarrier.arrive $0xFFFF;
	s2 =	simm.s32 @!p0 $0x1C02  }
0x144: {  	[timem:s3], [sflag:s2] =	dma.local @!p0 [hbm:s0], s1  }
0x145: {  	s0 =	simm.s32 @!p0 $0x2  }
0x146: {  	_ =	swait.ge @!p0 [sflag:s0], s1  }
0x147: {  	s1 =	ssub.s32 @!p0 $0x0, s1;
	[sflag:s0] =	ssyncset.done @!p0 $0x0  }
0x148: {  	[sflag:s0] =	ssyncadd.s32 @!p0 s1  }
0x149: {  	[bflag:$0x3] =	sbarrier.arrive $0xFFFF  }
0x14a: {  	_ =	shalt  }

</sc_bundles>
